<compile_context>
chip_gen: v7x
topology: tpu7x:2x2x1
jax: 0.10.2.dev20260603
libtpu: 0.0.44.dev20260713+nightly
codegen_flags: <defaults>
</compile_context>

<pallas_src>
import functools

import jax
import jax.numpy as jnp
from jax import lax
from jax.experimental import pallas as pl
from jax.experimental.pallas import tpu as pltpu
from jax.experimental.pallas import tpu_sc as plsc

_B, _H, _W = 16, 512, 512
_N = _B * _H * _W
_NW = 32
_PER_W = _N // _NW
_CH = 16384
_NCH = _PER_W // _CH
_VPC = _CH // 16

_mesh = plsc.VectorSubcoreMesh(core_axis_name="c", subcore_axis_name="s")


@functools.partial(
    pl.kernel,
    out_type=[
        jax.ShapeDtypeStruct((_N,), jnp.float32),
        jax.ShapeDtypeStruct((_N,), jnp.float32),
    ],
    mesh=_mesh,
    scratch_types=[
        pltpu.VMEM((_CH,), jnp.float32),
        pltpu.VMEM((_CH,), jnp.float32),
        pltpu.VMEM((_CH,), jnp.float32),
        pltpu.VMEM((48,), jnp.float32),
        pltpu.VMEM((768,), jnp.float32),
        pltpu.VMEM_SHARED((768,), jnp.float32),
    ],
)
def _wsm_sc(x_hbm, o_ir_hbm, o_vis_hbm, in_v, o1_v, o2_v, part_v, comb_v, shared):
    c = lax.axis_index("c")
    s = lax.axis_index("s")
    wid = c * 16 + s
    base = wid * _PER_W

    big = jnp.full((16,), 1e9, jnp.float32)
    mf = big
    mn = big
    mx = jnp.full((16,), -1e9, jnp.float32)

    for k in range(_NCH):
        pltpu.sync_copy(x_hbm.at[pl.ds(base + k * _CH, _CH)], in_v)

        def body_a(i, carry):
            cmf, cmn, cmx = carry
            v = in_v[pl.ds(i * 16, 16)]
            x = v * 255.0
            xf = x.astype(jnp.int32).astype(jnp.float32)
            fr = x - xf
            return (
                jnp.minimum(cmf, fr),
                jnp.minimum(cmn, x),
                jnp.maximum(cmx, x),
            )

        mf, mn, mx = lax.fori_loop(0, _VPC, body_a, (mf, mn, mx))

    part_v[pl.ds(0, 16)] = mf
    part_v[pl.ds(16, 16)] = mn
    part_v[pl.ds(32, 16)] = mx
    pltpu.sync_copy(part_v, shared.at[pl.ds(s * 48, 48)])
    plsc.subcore_barrier()
    pltpu.sync_copy(shared, comb_v)

    sp = s ^ 1
    mf2 = jnp.minimum(comb_v[pl.ds(s * 48, 16)], comb_v[pl.ds(sp * 48, 16)])
    mn2 = jnp.minimum(
        comb_v[pl.ds(s * 48 + 16, 16)], comb_v[pl.ds(sp * 48 + 16, 16)]
    )
    mx2 = jnp.maximum(
        comb_v[pl.ds(s * 48 + 32, 16)], comb_v[pl.ds(sp * 48 + 32, 16)]
    )
    lanes = lax.iota(jnp.int32, 16)
    for sh in (8, 4, 2, 1):
        idx = (lanes + sh) & 15
        mf2 = jnp.minimum(mf2, mf2.at[idx].get(mode="promise_in_bounds"))
        mn2 = jnp.minimum(mn2, mn2.at[idx].get(mode="promise_in_bounds"))
        mx2 = jnp.maximum(mx2, mx2.at[idx].get(mode="promise_in_bounds"))
    any_exact = mf2 == 0.0
    bin_lo = (mn2 / 255.0 * 256.0).astype(jnp.int32)
    bin_hi = (mx2 / 255.0 * 256.0).astype(jnp.int32)
    flag = jnp.logical_and(any_exact, bin_lo != bin_hi)
    flag2 = jnp.where(flag, 2.0, 0.0)

    for k in range(_NCH):
        pltpu.sync_copy(x_hbm.at[pl.ds(base + k * _CH, _CH)], in_v)

        def body_b(i, carry):
            v = in_v[pl.ds(i * 16, 16)]
            t = v * flag2 - 1.0
            e = jnp.exp(-t)
            r = 1.0 / (1.0 + e)
            o1_v[pl.ds(i * 16, 16)] = r
            o2_v[pl.ds(i * 16, 16)] = 1.0 - r
            return carry

        lax.fori_loop(0, _VPC, body_b, 0)
        pltpu.sync_copy(o1_v, o_ir_hbm.at[pl.ds(base + k * _CH, _CH)])
        pltpu.sync_copy(o2_v, o_vis_hbm.at[pl.ds(base + k * _CH, _CH)])


def kernel(image_irr, image_vis):
    B, C, H, W = image_irr.shape
    x = image_irr.reshape(B * C * H * W)
    o_ir, o_vis = _wsm_sc(x)
    return (
        o_ir.reshape(B, C, H, W),
        o_vis.reshape(B, C, H, W),
    )

# --- scband reference (transcript-rebuilt; emitter-appended) ---
"""Pipeline reference for scband-mask-based-wsm-74440373174558 (READ-ONLY COPY).

The authoritative reference and input builder live on the scoring server;
editing this copy changes nothing except your own understanding.
"""

import jax, jax.numpy as jnp
import numpy as np

B, C, H, W = 16, 1, 512, 512

def _histc(v):
    # faithful torch.histc(v, bins=256, min=0, max=255): values outside [0,255] ignored,
    # v==255 goes into the last bin
    v = v.reshape(-1)
    idx = jnp.floor(v / 255.0 * 256.0).astype(jnp.int32)
    idx = jnp.where(v == 255.0, 255, idx)
    valid = (v >= 0.0) & (v <= 255.0)
    idx = jnp.where(valid, jnp.clip(idx, 0, 255), 256)  # invalid -> overflow bin
    return jnp.bincount(idx, length=257)[:256].astype(jnp.float32)

def _getmask(image_mask):
    out = _histc(image_mask)
    j = jnp.arange(256, dtype=jnp.float32)
    absmat = jnp.abs(j[None, :] - j[:, None])  # |j - i|
    # mask_output[i] = sum_j |j - i| * out[j]  (the torch double loop)
    mask_output = absmat @ out
    # mask[image_mask == i] = mask_output[i] for integer i in [0,255];
    # only exactly-integer pixel values match the float equality in torch
    ii = image_mask.astype(jnp.int32)
    exact = (image_mask == ii.astype(jnp.float32)) & (ii >= 0) & (ii <= 255)
    mask = jnp.where(exact, mask_output[jnp.clip(ii, 0, 255)], 0.0)
    return jnp.where(mask.max() == 0.0, jnp.zeros_like(image_mask), image_mask)

def _forward(image_irr, image_vis):
    image_irr = image_irr * 255.0
    image_vis = image_vis * 255.0  # unused downstream, matching the torch module
    b = image_irr.shape[0]
    masks = []
    for bi in range(b):
        mi = image_irr[bi, 0, :, :]
        mask_ir_bi = _getmask(mi) / 255.0
        masks.append(mask_ir_bi[None, None, :, :])
    msk_ir = jnp.concatenate(masks, axis=0)        # [b,1,h,w]
    msk_vis = 1.0 - msk_ir
    msk = jnp.stack([msk_ir, msk_vis], axis=0)     # [2,b,1,h,w]
    msks = jax.nn.softmax(msk, axis=0)
    return (msks[0], msks[1])

def setup_inputs(seed: int = 0) -> dict:
    key = jax.random.key(seed)
    k1, k2 = jax.random.split(key)
    image_irr = jax.random.uniform(k1, (B, C, H, W), dtype=jnp.float32)
    image_vis = jax.random.uniform(k2, (B, C, H, W), dtype=jnp.float32)
    return {"image_irr": image_irr, "image_vis": image_vis}

def reference(image_irr, image_vis):
    return _forward(image_irr, image_vis)

if __name__ == "__main__":
    import jax
    _d = setup_inputs()
    print(jax.jit(kernel)(*tuple(_d.values())))

</pallas_src>

<mosaic_0001>
#map = affine_map<(d0, d1) -> (0)>
module attributes {stable_mosaic.version = 14 : i64} {
  func.func @_wsm_sc(%arg0: i32, %arg1: i32, %arg2: memref<4194304xf32, #tpu.memory_space<hbm>>, %arg3: memref<4194304xf32, #tpu.memory_space<hbm>>, %arg4: memref<4194304xf32, #tpu.memory_space<hbm>>, %arg5: memref<16384xf32, #tpu.memory_space<vmem>>, %arg6: memref<16384xf32, #tpu.memory_space<vmem>>, %arg7: memref<16384xf32, #tpu.memory_space<vmem>>, %arg8: memref<48xf32, #tpu.memory_space<vmem>>, %arg9: memref<768xf32, #tpu.memory_space<vmem>>, %arg10: memref<768xf32, #tpu.memory_space<vmem_shared>>) attributes {dimension_semantics = [#tpu.dimension_semantics<core_parallel>, #tpu.dimension_semantics<subcore_parallel>], iteration_bounds = array<i64: 2, 16>, scalar_prefetch = 0 : i64, scratch_operands = 6 : i64, tpu.core_type = #tpu.core_type<sc_vector_subcore>, window_params = [{transform_indices = #map}, {transform_indices = #map}, {transform_indices = #map}]} {
    %mul3A = arith.constant 16 : i32
    %mul3A_0 = arith.muli %arg0, %mul3A : i32
    %add3A = arith.addi %mul3A_0, %arg1 : i32
    %mul3A_1 = arith.constant 131072 : i32
    %mul3A_2 = arith.muli %add3A, %mul3A_1 : i32
    %broadcast_in_dim3A = arith.constant 1.000000e+09 : f32
    %broadcast_in_dim3A_3 = vector.broadcast %broadcast_in_dim3A : f32 to vector<16xf32>
    %broadcast_in_dim3A_4 = arith.constant -1.000000e+09 : f32
    %broadcast_in_dim3A_5 = vector.broadcast %broadcast_in_dim3A_4 : f32 to vector<16xf32>
    %add3A_6 = arith.constant 0 : i32
    %add3A_7 = arith.addi %mul3A_2, %add3A_6 : i32
    "tpu.region"() ({
      %run_scoped3A = tpu.sem_alloc : memref<!tpu.dma_semaphore, #tpu.memory_space<semaphore_mem>>
      %dma_start3A = tpu.memref_slice %arg2[%add3A_7] : memref<4194304xf32, #tpu.memory_space<hbm>> -> memref<16384xf32, #tpu.memory_space<hbm>>
      %dma_start3A_388 = tpu.memref_slice %arg2[%add3A_7] : memref<4194304xf32, #tpu.memory_space<hbm>> -> memref<16384xf32, #tpu.memory_space<hbm>>
      tpu.enqueue_dma source(%dma_start3A_388 : memref<16384xf32, #tpu.memory_space<hbm>>) target(%arg5 : memref<16384xf32, #tpu.memory_space<vmem>>) target_semaphore(%run_scoped3A : memref<!tpu.dma_semaphore, #tpu.memory_space<semaphore_mem>>)
      %dma_wait3A = tpu.memref_slice %arg2[%add3A_7] : memref<4194304xf32, #tpu.memory_space<hbm>> -> memref<16384xf32, #tpu.memory_space<hbm>>
      %dma_wait3A_389 = tpu.memref_slice %arg2[%add3A_7] : memref<4194304xf32, #tpu.memory_space<hbm>> -> memref<16384xf32, #tpu.memory_space<hbm>>
      tpu.wait_dma2 semaphore(%run_scoped3A : memref<!tpu.dma_semaphore, #tpu.memory_space<semaphore_mem>>) src(%dma_wait3A_389 : memref<16384xf32, #tpu.memory_space<hbm>>) dst(%arg5 : memref<16384xf32, #tpu.memory_space<vmem>>)
      tpu.yield
    }) : () -> ()
    %scan3A = arith.constant 0 : i32
    %scan3A_8 = arith.constant 1024 : i32
    %scan3A_9 = arith.addi %scan3A, %scan3A_8 : i32
    %scan3A_10 = arith.constant 1 : i32
    %scan3A_11:3 = scf.for %scan3A_388 = %scan3A to %scan3A_9 step %scan3A_10 iter_args(%scan3A_389 = %broadcast_in_dim3A_3, %scan3A_390 = %broadcast_in_dim3A_3, %scan3A_391 = %broadcast_in_dim3A_5) -> (vector<16xf32>, vector<16xf32>, vector<16xf32>)  : i32 {
      %mul3A_392 = arith.constant 16 : i32
      %mul3A_393 = arith.muli %scan3A_388, %mul3A_392 : i32
      %get3A_394 = arith.index_cast %mul3A_393 : i32 to index
      %get3A_395 = tpu.vector_load %arg5[%get3A_394] {strides = array<i32>} : memref<16384xf32, #tpu.memory_space<vmem>>, vector<16xf32>,
      %get3A_396 = vector.shape_cast %get3A_395 : vector<16xf32> to vector<16xf32>
      %mul3A_397 = arith.constant 2.550000e+02 : f32
      %mul3A_398 = vector.broadcast %mul3A_397 : f32 to vector<16xf32>
      %mul3A_399 = arith.mulf %get3A_396, %mul3A_398 : vector<16xf32>
      %convert_element_type3A_400 = arith.fptosi %mul3A_399 : vector<16xf32> to vector<16xi32>
      %convert_element_type3A_401 = arith.sitofp %convert_element_type3A_400 : vector<16xi32> to vector<16xf32>
      %sub3A = arith.subf %mul3A_399, %convert_element_type3A_401 : vector<16xf32>
      %min3A_402 = arith.minimumf %scan3A_389, %sub3A : vector<16xf32>
      %min3A_403 = arith.minimumf %scan3A_390, %mul3A_399 : vector<16xf32>
      %max3A_404 = arith.maximumf %scan3A_391, %mul3A_399 : vector<16xf32>
      scf.yield %min3A_402, %min3A_403, %max3A_404 : vector<16xf32>, vector<16xf32>, vector<16xf32>
    }
    %scan3A_12 = arith.constant 1024 : i32
    %add3A_13 = arith.constant 16384 : i32
    %add3A_14 = arith.addi %mul3A_2, %add3A_13 : i32
    "tpu.region"() ({
      %run_scoped3A = tpu.sem_alloc : memref<!tpu.dma_semaphore, #tpu.memory_space<semaphore_mem>>
      %dma_start3A = tpu.memref_slice %arg2[%add3A_14] : memref<4194304xf32, #tpu.memory_space<hbm>> -> memref<16384xf32, #tpu.memory_space<hbm>>
      %dma_start3A_388 = tpu.memref_slice %arg2[%add3A_14] : memref<4194304xf32, #tpu.memory_space<hbm>> -> memref<16384xf32, #tpu.memory_space<hbm>>
      tpu.enqueue_dma source(%dma_start3A_388 : memref<16384xf32, #tpu.memory_space<hbm>>) target(%arg5 : memref<16384xf32, #tpu.memory_space<vmem>>) target_semaphore(%run_scoped3A : memref<!tpu.dma_semaphore, #tpu.memory_space<semaphore_mem>>)
      %dma_wait3A = tpu.memref_slice %arg2[%add3A_14] : memref<4194304xf32, #tpu.memory_space<hbm>> -> memref<16384xf32, #tpu.memory_space<hbm>>
      %dma_wait3A_389 = tpu.memref_slice %arg2[%add3A_14] : memref<4194304xf32, #tpu.memory_space<hbm>> -> memref<16384xf32, #tpu.memory_space<hbm>>
      tpu.wait_dma2 semaphore(%run_scoped3A : memref<!tpu.dma_semaphore, #tpu.memory_space<semaphore_mem>>) src(%dma_wait3A_389 : memref<16384xf32, #tpu.memory_space<hbm>>) dst(%arg5 : memref<16384xf32, #tpu.memory_space<vmem>>)
      tpu.yield
    }) : () -> ()
    %scan3A_15 = arith.constant 0 : i32
    %scan3A_16 = arith.constant 1024 : i32
    %scan3A_17 = arith.addi %scan3A_15, %scan3A_16 : i32
    %scan3A_18 = arith.constant 1 : i32
    %scan3A_19:3 = scf.for %scan3A_388 = %scan3A_15 to %scan3A_17 step %scan3A_18 iter_args(%scan3A_389 = %scan3A_11#0, %scan3A_390 = %scan3A_11#1, %scan3A_391 = %scan3A_11#2) -> (vector<16xf32>, vector<16xf32>, vector<16xf32>)  : i32 {
      %mul3A_392 = arith.constant 16 : i32
      %mul3A_393 = arith.muli %scan3A_388, %mul3A_392 : i32
      %get3A_394 = arith.index_cast %mul3A_393 : i32 to index
      %get3A_395 = tpu.vector_load %arg5[%get3A_394] {strides = array<i32>} : memref<16384xf32, #tpu.memory_space<vmem>>, vector<16xf32>,
      %get3A_396 = vector.shape_cast %get3A_395 : vector<16xf32> to vector<16xf32>
      %mul3A_397 = arith.constant 2.550000e+02 : f32
      %mul3A_398 = vector.broadcast %mul3A_397 : f32 to vector<16xf32>
      %mul3A_399 = arith.mulf %get3A_396, %mul3A_398 : vector<16xf32>
      %convert_element_type3A_400 = arith.fptosi %mul3A_399 : vector<16xf32> to vector<16xi32>
      %convert_element_type3A_401 = arith.sitofp %convert_element_type3A_400 : vector<16xi32> to vector<16xf32>
      %sub3A = arith.subf %mul3A_399, %convert_element_type3A_401 : vector<16xf32>
      %min3A_402 = arith.minimumf %scan3A_389, %sub3A : vector<16xf32>
      %min3A_403 = arith.minimumf %scan3A_390, %mul3A_399 : vector<16xf32>
      %max3A_404 = arith.maximumf %scan3A_391, %mul3A_399 : vector<16xf32>
      scf.yield %min3A_402, %min3A_403, %max3A_404 : vector<16xf32>, vector<16xf32>, vector<16xf32>
    }
    %scan3A_20 = arith.constant 1024 : i32
    %add3A_21 = arith.constant 32768 : i32
    %add3A_22 = arith.addi %mul3A_2, %add3A_21 : i32
    "tpu.region"() ({
      %run_scoped3A = tpu.sem_alloc : memref<!tpu.dma_semaphore, #tpu.memory_space<semaphore_mem>>
      %dma_start3A = tpu.memref_slice %arg2[%add3A_22] : memref<4194304xf32, #tpu.memory_space<hbm>> -> memref<16384xf32, #tpu.memory_space<hbm>>
      %dma_start3A_388 = tpu.memref_slice %arg2[%add3A_22] : memref<4194304xf32, #tpu.memory_space<hbm>> -> memref<16384xf32, #tpu.memory_space<hbm>>
      tpu.enqueue_dma source(%dma_start3A_388 : memref<16384xf32, #tpu.memory_space<hbm>>) target(%arg5 : memref<16384xf32, #tpu.memory_space<vmem>>) target_semaphore(%run_scoped3A : memref<!tpu.dma_semaphore, #tpu.memory_space<semaphore_mem>>)
      %dma_wait3A = tpu.memref_slice %arg2[%add3A_22] : memref<4194304xf32, #tpu.memory_space<hbm>> -> memref<16384xf32, #tpu.memory_space<hbm>>
      %dma_wait3A_389 = tpu.memref_slice %arg2[%add3A_22] : memref<4194304xf32, #tpu.memory_space<hbm>> -> memref<16384xf32, #tpu.memory_space<hbm>>
      tpu.wait_dma2 semaphore(%run_scoped3A : memref<!tpu.dma_semaphore, #tpu.memory_space<semaphore_mem>>) src(%dma_wait3A_389 : memref<16384xf32, #tpu.memory_space<hbm>>) dst(%arg5 : memref<16384xf32, #tpu.memory_space<vmem>>)
      tpu.yield
    }) : () -> ()
    %scan3A_23 = arith.constant 0 : i32
    %scan3A_24 = arith.constant 1024 : i32
    %scan3A_25 = arith.addi %scan3A_23, %scan3A_24 : i32
    %scan3A_26 = arith.constant 1 : i32
    %scan3A_27:3 = scf.for %scan3A_388 = %scan3A_23 to %scan3A_25 step %scan3A_26 iter_args(%scan3A_389 = %scan3A_19#0, %scan3A_390 = %scan3A_19#1, %scan3A_391 = %scan3A_19#2) -> (vector<16xf32>, vector<16xf32>, vector<16xf32>)  : i32 {
      %mul3A_392 = arith.constant 16 : i32
      %mul3A_393 = arith.muli %scan3A_388, %mul3A_392 : i32
      %get3A_394 = arith.index_cast %mul3A_393 : i32 to index
      %get3A_395 = tpu.vector_load %arg5[%get3A_394] {strides = array<i32>} : memref<16384xf32, #tpu.memory_space<vmem>>, vector<16xf32>,
      %get3A_396 = vector.shape_cast %get3A_395 : vector<16xf32> to vector<16xf32>
      %mul3A_397 = arith.constant 2.550000e+02 : f32
      %mul3A_398 = vector.broadcast %mul3A_397 : f32 to vector<16xf32>
      %mul3A_399 = arith.mulf %get3A_396, %mul3A_398 : vector<16xf32>
      %convert_element_type3A_400 = arith.fptosi %mul3A_399 : vector<16xf32> to vector<16xi32>
      %convert_element_type3A_401 = arith.sitofp %convert_element_type3A_400 : vector<16xi32> to vector<16xf32>
      %sub3A = arith.subf %mul3A_399, %convert_element_type3A_401 : vector<16xf32>
      %min3A_402 = arith.minimumf %scan3A_389, %sub3A : vector<16xf32>
      %min3A_403 = arith.minimumf %scan3A_390, %mul3A_399 : vector<16xf32>
      %max3A_404 = arith.maximumf %scan3A_391, %mul3A_399 : vector<16xf32>
      scf.yield %min3A_402, %min3A_403, %max3A_404 : vector<16xf32>, vector<16xf32>, vector<16xf32>
    }
    %scan3A_28 = arith.constant 1024 : i32
    %add3A_29 = arith.constant 49152 : i32
    %add3A_30 = arith.addi %mul3A_2, %add3A_29 : i32
    "tpu.region"() ({
      %run_scoped3A = tpu.sem_alloc : memref<!tpu.dma_semaphore, #tpu.memory_space<semaphore_mem>>
      %dma_start3A = tpu.memref_slice %arg2[%add3A_30] : memref<4194304xf32, #tpu.memory_space<hbm>> -> memref<16384xf32, #tpu.memory_space<hbm>>
      %dma_start3A_388 = tpu.memref_slice %arg2[%add3A_30] : memref<4194304xf32, #tpu.memory_space<hbm>> -> memref<16384xf32, #tpu.memory_space<hbm>>
      tpu.enqueue_dma source(%dma_start3A_388 : memref<16384xf32, #tpu.memory_space<hbm>>) target(%arg5 : memref<16384xf32, #tpu.memory_space<vmem>>) target_semaphore(%run_scoped3A : memref<!tpu.dma_semaphore, #tpu.memory_space<semaphore_mem>>)
      %dma_wait3A = tpu.memref_slice %arg2[%add3A_30] : memref<4194304xf32, #tpu.memory_space<hbm>> -> memref<16384xf32, #tpu.memory_space<hbm>>
      %dma_wait3A_389 = tpu.memref_slice %arg2[%add3A_30] : memref<4194304xf32, #tpu.memory_space<hbm>> -> memref<16384xf32, #tpu.memory_space<hbm>>
      tpu.wait_dma2 semaphore(%run_scoped3A : memref<!tpu.dma_semaphore, #tpu.memory_space<semaphore_mem>>) src(%dma_wait3A_389 : memref<16384xf32, #tpu.memory_space<hbm>>) dst(%arg5 : memref<16384xf32, #tpu.memory_space<vmem>>)
      tpu.yield
    }) : () -> ()
    %scan3A_31 = arith.constant 0 : i32
    %scan3A_32 = arith.constant 1024 : i32
    %scan3A_33 = arith.addi %scan3A_31, %scan3A_32 : i32
    %scan3A_34 = arith.constant 1 : i32
    %scan3A_35:3 = scf.for %scan3A_388 = %scan3A_31 to %scan3A_33 step %scan3A_34 iter_args(%scan3A_389 = %scan3A_27#0, %scan3A_390 = %scan3A_27#1, %scan3A_391 = %scan3A_27#2) -> (vector<16xf32>, vector<16xf32>, vector<16xf32>)  : i32 {
      %mul3A_392 = arith.constant 16 : i32
      %mul3A_393 = arith.muli %scan3A_388, %mul3A_392 : i32
      %get3A_394 = arith.index_cast %mul3A_393 : i32 to index
      %get3A_395 = tpu.vector_load %arg5[%get3A_394] {strides = array<i32>} : memref<16384xf32, #tpu.memory_space<vmem>>, vector<16xf32>,
      %get3A_396 = vector.shape_cast %get3A_395 : vector<16xf32> to vector<16xf32>
      %mul3A_397 = arith.constant 2.550000e+02 : f32
      %mul3A_398 = vector.broadcast %mul3A_397 : f32 to vector<16xf32>
      %mul3A_399 = arith.mulf %get3A_396, %mul3A_398 : vector<16xf32>
      %convert_element_type3A_400 = arith.fptosi %mul3A_399 : vector<16xf32> to vector<16xi32>
      %convert_element_type3A_401 = arith.sitofp %convert_element_type3A_400 : vector<16xi32> to vector<16xf32>
      %sub3A = arith.subf %mul3A_399, %convert_element_type3A_401 : vector<16xf32>
      %min3A_402 = arith.minimumf %scan3A_389, %sub3A : vector<16xf32>
      %min3A_403 = arith.minimumf %scan3A_390, %mul3A_399 : vector<16xf32>
      %max3A_404 = arith.maximumf %scan3A_391, %mul3A_399 : vector<16xf32>
      scf.yield %min3A_402, %min3A_403, %max3A_404 : vector<16xf32>, vector<16xf32>, vector<16xf32>
    }
    %scan3A_36 = arith.constant 1024 : i32
    %add3A_37 = arith.constant 65536 : i32
    %add3A_38 = arith.addi %mul3A_2, %add3A_37 : i32
    "tpu.region"() ({
      %run_scoped3A = tpu.sem_alloc : memref<!tpu.dma_semaphore, #tpu.memory_space<semaphore_mem>>
      %dma_start3A = tpu.memref_slice %arg2[%add3A_38] : memref<4194304xf32, #tpu.memory_space<hbm>> -> memref<16384xf32, #tpu.memory_space<hbm>>
      %dma_start3A_388 = tpu.memref_slice %arg2[%add3A_38] : memref<4194304xf32, #tpu.memory_space<hbm>> -> memref<16384xf32, #tpu.memory_space<hbm>>
      tpu.enqueue_dma source(%dma_start3A_388 : memref<16384xf32, #tpu.memory_space<hbm>>) target(%arg5 : memref<16384xf32, #tpu.memory_space<vmem>>) target_semaphore(%run_scoped3A : memref<!tpu.dma_semaphore, #tpu.memory_space<semaphore_mem>>)
      %dma_wait3A = tpu.memref_slice %arg2[%add3A_38] : memref<4194304xf32, #tpu.memory_space<hbm>> -> memref<16384xf32, #tpu.memory_space<hbm>>
      %dma_wait3A_389 = tpu.memref_slice %arg2[%add3A_38] : memref<4194304xf32, #tpu.memory_space<hbm>> -> memref<16384xf32, #tpu.memory_space<hbm>>
      tpu.wait_dma2 semaphore(%run_scoped3A : memref<!tpu.dma_semaphore, #tpu.memory_space<semaphore_mem>>) src(%dma_wait3A_389 : memref<16384xf32, #tpu.memory_space<hbm>>) dst(%arg5 : memref<16384xf32, #tpu.memory_space<vmem>>)
      tpu.yield
    }) : () -> ()
    %scan3A_39 = arith.constant 0 : i32
    %scan3A_40 = arith.constant 1024 : i32
    %scan3A_41 = arith.addi %scan3A_39, %scan3A_40 : i32
    %scan3A_42 = arith.constant 1 : i32
    %scan3A_43:3 = scf.for %scan3A_388 = %scan3A_39 to %scan3A_41 step %scan3A_42 iter_args(%scan3A_389 = %scan3A_35#0, %scan3A_390 = %scan3A_35#1, %scan3A_391 = %scan3A_35#2) -> (vector<16xf32>, vector<16xf32>, vector<16xf32>)  : i32 {
      %mul3A_392 = arith.constant 16 : i32
      %mul3A_393 = arith.muli %scan3A_388, %mul3A_392 : i32
      %get3A_394 = arith.index_cast %mul3A_393 : i32 to index
      %get3A_395 = tpu.vector_load %arg5[%get3A_394] {strides = array<i32>} : memref<16384xf32, #tpu.memory_space<vmem>>, vector<16xf32>,
      %get3A_396 = vector.shape_cast %get3A_395 : vector<16xf32> to vector<16xf32>
      %mul3A_397 = arith.constant 2.550000e+02 : f32
      %mul3A_398 = vector.broadcast %mul3A_397 : f32 to vector<16xf32>
      %mul3A_399 = arith.mulf %get3A_396, %mul3A_398 : vector<16xf32>
      %convert_element_type3A_400 = arith.fptosi %mul3A_399 : vector<16xf32> to vector<16xi32>
      %convert_element_type3A_401 = arith.sitofp %convert_element_type3A_400 : vector<16xi32> to vector<16xf32>
      %sub3A = arith.subf %mul3A_399, %convert_element_type3A_401 : vector<16xf32>
      %min3A_402 = arith.minimumf %scan3A_389, %sub3A : vector<16xf32>
      %min3A_403 = arith.minimumf %scan3A_390, %mul3A_399 : vector<16xf32>
      %max3A_404 = arith.maximumf %scan3A_391, %mul3A_399 : vector<16xf32>
      scf.yield %min3A_402, %min3A_403, %max3A_404 : vector<16xf32>, vector<16xf32>, vector<16xf32>
    }
    %scan3A_44 = arith.constant 1024 : i32
    %add3A_45 = arith.constant 81920 : i32
    %add3A_46 = arith.addi %mul3A_2, %add3A_45 : i32
    "tpu.region"() ({
      %run_scoped3A = tpu.sem_alloc : memref<!tpu.dma_semaphore, #tpu.memory_space<semaphore_mem>>
      %dma_start3A = tpu.memref_slice %arg2[%add3A_46] : memref<4194304xf32, #tpu.memory_space<hbm>> -> memref<16384xf32, #tpu.memory_space<hbm>>
      %dma_start3A_388 = tpu.memref_slice %arg2[%add3A_46] : memref<4194304xf32, #tpu.memory_space<hbm>> -> memref<16384xf32, #tpu.memory_space<hbm>>
      tpu.enqueue_dma source(%dma_start3A_388 : memref<16384xf32, #tpu.memory_space<hbm>>) target(%arg5 : memref<16384xf32, #tpu.memory_space<vmem>>) target_semaphore(%run_scoped3A : memref<!tpu.dma_semaphore, #tpu.memory_space<semaphore_mem>>)
      %dma_wait3A = tpu.memref_slice %arg2[%add3A_46] : memref<4194304xf32, #tpu.memory_space<hbm>> -> memref<16384xf32, #tpu.memory_space<hbm>>
      %dma_wait3A_389 = tpu.memref_slice %arg2[%add3A_46] : memref<4194304xf32, #tpu.memory_space<hbm>> -> memref<16384xf32, #tpu.memory_space<hbm>>
      tpu.wait_dma2 semaphore(%run_scoped3A : memref<!tpu.dma_semaphore, #tpu.memory_space<semaphore_mem>>) src(%dma_wait3A_389 : memref<16384xf32, #tpu.memory_space<hbm>>) dst(%arg5 : memref<16384xf32, #tpu.memory_space<vmem>>)
      tpu.yield
    }) : () -> ()
    %scan3A_47 = arith.constant 0 : i32
    %scan3A_48 = arith.constant 1024 : i32
    %scan3A_49 = arith.addi %scan3A_47, %scan3A_48 : i32
    %scan3A_50 = arith.constant 1 : i32
    %scan3A_51:3 = scf.for %scan3A_388 = %scan3A_47 to %scan3A_49 step %scan3A_50 iter_args(%scan3A_389 = %scan3A_43#0, %scan3A_390 = %scan3A_43#1, %scan3A_391 = %scan3A_43#2) -> (vector<16xf32>, vector<16xf32>, vector<16xf32>)  : i32 {
      %mul3A_392 = arith.constant 16 : i32
      %mul3A_393 = arith.muli %scan3A_388, %mul3A_392 : i32
      %get3A_394 = arith.index_cast %mul3A_393 : i32 to index
      %get3A_395 = tpu.vector_load %arg5[%get3A_394] {strides = array<i32>} : memref<16384xf32, #tpu.memory_space<vmem>>, vector<16xf32>,
      %get3A_396 = vector.shape_cast %get3A_395 : vector<16xf32> to vector<16xf32>
      %mul3A_397 = arith.constant 2.550000e+02 : f32
      %mul3A_398 = vector.broadcast %mul3A_397 : f32 to vector<16xf32>
      %mul3A_399 = arith.mulf %get3A_396, %mul3A_398 : vector<16xf32>
      %convert_element_type3A_400 = arith.fptosi %mul3A_399 : vector<16xf32> to vector<16xi32>
      %convert_element_type3A_401 = arith.sitofp %convert_element_type3A_400 : vector<16xi32> to vector<16xf32>
      %sub3A = arith.subf %mul3A_399, %convert_element_type3A_401 : vector<16xf32>
      %min3A_402 = arith.minimumf %scan3A_389, %sub3A : vector<16xf32>
      %min3A_403 = arith.minimumf %scan3A_390, %mul3A_399 : vector<16xf32>
      %max3A_404 = arith.maximumf %scan3A_391, %mul3A_399 : vector<16xf32>
      scf.yield %min3A_402, %min3A_403, %max3A_404 : vector<16xf32>, vector<16xf32>, vector<16xf32>
    }
    %scan3A_52 = arith.constant 1024 : i32
    %add3A_53 = arith.constant 98304 : i32
    %add3A_54 = arith.addi %mul3A_2, %add3A_53 : i32
    "tpu.region"() ({
      %run_scoped3A = tpu.sem_alloc : memref<!tpu.dma_semaphore, #tpu.memory_space<semaphore_mem>>
      %dma_start3A = tpu.memref_slice %arg2[%add3A_54] : memref<4194304xf32, #tpu.memory_space<hbm>> -> memref<16384xf32, #tpu.memory_space<hbm>>
      %dma_start3A_388 = tpu.memref_slice %arg2[%add3A_54] : memref<4194304xf32, #tpu.memory_space<hbm>> -> memref<16384xf32, #tpu.memory_space<hbm>>
      tpu.enqueue_dma source(%dma_start3A_388 : memref<16384xf32, #tpu.memory_space<hbm>>) target(%arg5 : memref<16384xf32, #tpu.memory_space<vmem>>) target_semaphore(%run_scoped3A : memref<!tpu.dma_semaphore, #tpu.memory_space<semaphore_mem>>)
      %dma_wait3A = tpu.memref_slice %arg2[%add3A_54] : memref<4194304xf32, #tpu.memory_space<hbm>> -> memref<16384xf32, #tpu.memory_space<hbm>>
      %dma_wait3A_389 = tpu.memref_slice %arg2[%add3A_54] : memref<4194304xf32, #tpu.memory_space<hbm>> -> memref<16384xf32, #tpu.memory_space<hbm>>
      tpu.wait_dma2 semaphore(%run_scoped3A : memref<!tpu.dma_semaphore, #tpu.memory_space<semaphore_mem>>) src(%dma_wait3A_389 : memref<16384xf32, #tpu.memory_space<hbm>>) dst(%arg5 : memref<16384xf32, #tpu.memory_space<vmem>>)
      tpu.yield
    }) : () -> ()
    %scan3A_55 = arith.constant 0 : i32
    %scan3A_56 = arith.constant 1024 : i32
    %scan3A_57 = arith.addi %scan3A_55, %scan3A_56 : i32
    %scan3A_58 = arith.constant 1 : i32
    %scan3A_59:3 = scf.for %scan3A_388 = %scan3A_55 to %scan3A_57 step %scan3A_58 iter_args(%scan3A_389 = %scan3A_51#0, %scan3A_390 = %scan3A_51#1, %scan3A_391 = %scan3A_51#2) -> (vector<16xf32>, vector<16xf32>, vector<16xf32>)  : i32 {
      %mul3A_392 = arith.constant 16 : i32
      %mul3A_393 = arith.muli %scan3A_388, %mul3A_392 : i32
      %get3A_394 = arith.index_cast %mul3A_393 : i32 to index
      %get3A_395 = tpu.vector_load %arg5[%get3A_394] {strides = array<i32>} : memref<16384xf32, #tpu.memory_space<vmem>>, vector<16xf32>,
      %get3A_396 = vector.shape_cast %get3A_395 : vector<16xf32> to vector<16xf32>
      %mul3A_397 = arith.constant 2.550000e+02 : f32
      %mul3A_398 = vector.broadcast %mul3A_397 : f32 to vector<16xf32>
      %mul3A_399 = arith.mulf %get3A_396, %mul3A_398 : vector<16xf32>
      %convert_element_type3A_400 = arith.fptosi %mul3A_399 : vector<16xf32> to vector<16xi32>
      %convert_element_type3A_401 = arith.sitofp %convert_element_type3A_400 : vector<16xi32> to vector<16xf32>
      %sub3A = arith.subf %mul3A_399, %convert_element_type3A_401 : vector<16xf32>
      %min3A_402 = arith.minimumf %scan3A_389, %sub3A : vector<16xf32>
      %min3A_403 = arith.minimumf %scan3A_390, %mul3A_399 : vector<16xf32>
      %max3A_404 = arith.maximumf %scan3A_391, %mul3A_399 : vector<16xf32>
      scf.yield %min3A_402, %min3A_403, %max3A_404 : vector<16xf32>, vector<16xf32>, vector<16xf32>
    }
    %scan3A_60 = arith.constant 1024 : i32
    %add3A_61 = arith.constant 114688 : i32
    %add3A_62 = arith.addi %mul3A_2, %add3A_61 : i32
    "tpu.region"() ({
      %run_scoped3A = tpu.sem_alloc : memref<!tpu.dma_semaphore, #tpu.memory_space<semaphore_mem>>
      %dma_start3A = tpu.memref_slice %arg2[%add3A_62] : memref<4194304xf32, #tpu.memory_space<hbm>> -> memref<16384xf32, #tpu.memory_space<hbm>>
      %dma_start3A_388 = tpu.memref_slice %arg2[%add3A_62] : memref<4194304xf32, #tpu.memory_space<hbm>> -> memref<16384xf32, #tpu.memory_space<hbm>>
      tpu.enqueue_dma source(%dma_start3A_388 : memref<16384xf32, #tpu.memory_space<hbm>>) target(%arg5 : memref<16384xf32, #tpu.memory_space<vmem>>) target_semaphore(%run_scoped3A : memref<!tpu.dma_semaphore, #tpu.memory_space<semaphore_mem>>)
      %dma_wait3A = tpu.memref_slice %arg2[%add3A_62] : memref<4194304xf32, #tpu.memory_space<hbm>> -> memref<16384xf32, #tpu.memory_space<hbm>>
      %dma_wait3A_389 = tpu.memref_slice %arg2[%add3A_62] : memref<4194304xf32, #tpu.memory_space<hbm>> -> memref<16384xf32, #tpu.memory_space<hbm>>
      tpu.wait_dma2 semaphore(%run_scoped3A : memref<!tpu.dma_semaphore, #tpu.memory_space<semaphore_mem>>) src(%dma_wait3A_389 : memref<16384xf32, #tpu.memory_space<hbm>>) dst(%arg5 : memref<16384xf32, #tpu.memory_space<vmem>>)
      tpu.yield
    }) : () -> ()
    %scan3A_63 = arith.constant 0 : i32
    %scan3A_64 = arith.constant 1024 : i32
    %scan3A_65 = arith.addi %scan3A_63, %scan3A_64 : i32
    %scan3A_66 = arith.constant 1 : i32
    %scan3A_67:3 = scf.for %scan3A_388 = %scan3A_63 to %scan3A_65 step %scan3A_66 iter_args(%scan3A_389 = %scan3A_59#0, %scan3A_390 = %scan3A_59#1, %scan3A_391 = %scan3A_59#2) -> (vector<16xf32>, vector<16xf32>, vector<16xf32>)  : i32 {
      %mul3A_392 = arith.constant 16 : i32
      %mul3A_393 = arith.muli %scan3A_388, %mul3A_392 : i32
      %get3A_394 = arith.index_cast %mul3A_393 : i32 to index
      %get3A_395 = tpu.vector_load %arg5[%get3A_394] {strides = array<i32>} : memref<16384xf32, #tpu.memory_space<vmem>>, vector<16xf32>,
      %get3A_396 = vector.shape_cast %get3A_395 : vector<16xf32> to vector<16xf32>
      %mul3A_397 = arith.constant 2.550000e+02 : f32
      %mul3A_398 = vector.broadcast %mul3A_397 : f32 to vector<16xf32>
      %mul3A_399 = arith.mulf %get3A_396, %mul3A_398 : vector<16xf32>
      %convert_element_type3A_400 = arith.fptosi %mul3A_399 : vector<16xf32> to vector<16xi32>
      %convert_element_type3A_401 = arith.sitofp %convert_element_type3A_400 : vector<16xi32> to vector<16xf32>
      %sub3A = arith.subf %mul3A_399, %convert_element_type3A_401 : vector<16xf32>
      %min3A_402 = arith.minimumf %scan3A_389, %sub3A : vector<16xf32>
      %min3A_403 = arith.minimumf %scan3A_390, %mul3A_399 : vector<16xf32>
      %max3A_404 = arith.maximumf %scan3A_391, %mul3A_399 : vector<16xf32>
      scf.yield %min3A_402, %min3A_403, %max3A_404 : vector<16xf32>, vector<16xf32>, vector<16xf32>
    }
    %scan3A_68 = arith.constant 1024 : i32
    %swap3A = arith.constant 0 : index
    %swap3A_69 = tpu.vector_load %arg8[%swap3A] {strides = array<i32>} : memref<48xf32, #tpu.memory_space<vmem>>, vector<16xf32>,
    %swap3A_70 = vector.shape_cast %swap3A_69 : vector<16xf32> to vector<16xf32>
    %swap3A_71 = vector.shape_cast %scan3A_67#0 : vector<16xf32> to vector<16xf32>
    tpu.vector_store %arg8[%swap3A], %swap3A_71 {strides = array<i32>} : memref<48xf32, #tpu.memory_space<vmem>>, vector<16xf32>,
    %swap3A_72 = arith.constant 16 : index
    %swap3A_73 = tpu.vector_load %arg8[%swap3A_72] {strides = array<i32>} : memref<48xf32, #tpu.memory_space<vmem>>, vector<16xf32>,
    %swap3A_74 = vector.shape_cast %swap3A_73 : vector<16xf32> to vector<16xf32>
    %swap3A_75 = vector.shape_cast %scan3A_67#1 : vector<16xf32> to vector<16xf32>
    tpu.vector_store %arg8[%swap3A_72], %swap3A_75 {strides = array<i32>} : memref<48xf32, #tpu.memory_space<vmem>>, vector<16xf32>,
    %swap3A_76 = arith.constant 32 : index
    %swap3A_77 = tpu.vector_load %arg8[%swap3A_76] {strides = array<i32>} : memref<48xf32, #tpu.memory_space<vmem>>, vector<16xf32>,
    %swap3A_78 = vector.shape_cast %swap3A_77 : vector<16xf32> to vector<16xf32>
    %swap3A_79 = vector.shape_cast %scan3A_67#2 : vector<16xf32> to vector<16xf32>
    tpu.vector_store %arg8[%swap3A_76], %swap3A_79 {strides = array<i32>} : memref<48xf32, #tpu.memory_space<vmem>>, vector<16xf32>,
    %mul3A_80 = arith.constant 48 : i32
    %mul3A_81 = arith.muli %arg1, %mul3A_80 : i32
    "tpu.region"() ({
      %run_scoped3A = tpu.sem_alloc : memref<!tpu.dma_semaphore, #tpu.memory_space<semaphore_mem>>
      %dma_start3A = tpu.memref_slice %arg10[%mul3A_81] : memref<768xf32, #tpu.memory_space<vmem_shared>> -> memref<48xf32, #tpu.memory_space<vmem_shared>>
      %dma_start3A_388 = tpu.memref_slice %arg10[%mul3A_81] : memref<768xf32, #tpu.memory_space<vmem_shared>> -> memref<48xf32, #tpu.memory_space<vmem_shared>>
      tpu.enqueue_dma source(%arg8 : memref<48xf32, #tpu.memory_space<vmem>>) target(%dma_start3A_388 : memref<48xf32, #tpu.memory_space<vmem_shared>>) target_semaphore(%run_scoped3A : memref<!tpu.dma_semaphore, #tpu.memory_space<semaphore_mem>>)
      %dma_wait3A = tpu.memref_slice %arg10[%mul3A_81] : memref<768xf32, #tpu.memory_space<vmem_shared>> -> memref<48xf32, #tpu.memory_space<vmem_shared>>
      %dma_wait3A_389 = tpu.memref_slice %arg10[%mul3A_81] : memref<768xf32, #tpu.memory_space<vmem_shared>> -> memref<48xf32, #tpu.memory_space<vmem_shared>>
      tpu.wait_dma2 semaphore(%run_scoped3A : memref<!tpu.dma_semaphore, #tpu.memory_space<semaphore_mem>>) src(%arg8 : memref<48xf32, #tpu.memory_space<vmem>>) dst(%dma_wait3A_389 : memref<48xf32, #tpu.memory_space<vmem_shared>>)
      tpu.yield
    }) : () -> ()
    %barrier3A = arith.constant 0 : index
    tpu.barrier barrier_id(%barrier3A)
    "tpu.region"() ({
      %run_scoped3A = tpu.sem_alloc : memref<!tpu.dma_semaphore, #tpu.memory_space<semaphore_mem>>
      tpu.enqueue_dma source(%arg10 : memref<768xf32, #tpu.memory_space<vmem_shared>>) target(%arg9 : memref<768xf32, #tpu.memory_space<vmem>>) target_semaphore(%run_scoped3A : memref<!tpu.dma_semaphore, #tpu.memory_space<semaphore_mem>>)
      tpu.wait_dma2 semaphore(%run_scoped3A : memref<!tpu.dma_semaphore, #tpu.memory_space<semaphore_mem>>) src(%arg10 : memref<768xf32, #tpu.memory_space<vmem_shared>>) dst(%arg9 : memref<768xf32, #tpu.memory_space<vmem>>)
      tpu.yield
    }) : () -> ()
    %xor3A = arith.constant 1 : i32
    %xor3A_82 = arith.xori %arg1, %xor3A : i32
    %mul3A_83 = arith.constant 48 : i32
    %mul3A_84 = arith.muli %arg1, %mul3A_83 : i32
    %get3A = arith.index_cast %mul3A_84 : i32 to index
    %get3A_85 = tpu.vector_load %arg9[%get3A] {strides = array<i32>} : memref<768xf32, #tpu.memory_space<vmem>>, vector<16xf32>,
    %get3A_86 = vector.shape_cast %get3A_85 : vector<16xf32> to vector<16xf32>
    %mul3A_87 = arith.constant 48 : i32
    %mul3A_88 = arith.muli %xor3A_82, %mul3A_87 : i32
    %get3A_89 = arith.index_cast %mul3A_88 : i32 to index
    %get3A_90 = tpu.vector_load %arg9[%get3A_89] {strides = array<i32>} : memref<768xf32, #tpu.memory_space<vmem>>, vector<16xf32>,
    %get3A_91 = vector.shape_cast %get3A_90 : vector<16xf32> to vector<16xf32>
    %min3A = arith.minimumf %get3A_86, %get3A_91 : vector<16xf32>
    %mul3A_92 = arith.constant 48 : i32
    %mul3A_93 = arith.muli %arg1, %mul3A_92 : i32
    %add3A_94 = arith.constant 16 : i32
    %add3A_95 = arith.addi %mul3A_93, %add3A_94 : i32
    %get3A_96 = arith.index_cast %add3A_95 : i32 to index
    %get3A_97 = tpu.vector_load %arg9[%get3A_96] {strides = array<i32>} : memref<768xf32, #tpu.memory_space<vmem>>, vector<16xf32>,
    %get3A_98 = vector.shape_cast %get3A_97 : vector<16xf32> to vector<16xf32>
    %mul3A_99 = arith.constant 48 : i32
    %mul3A_100 = arith.muli %xor3A_82, %mul3A_99 : i32
    %add3A_101 = arith.constant 16 : i32
    %add3A_102 = arith.addi %mul3A_100, %add3A_101 : i32
    %get3A_103 = arith.index_cast %add3A_102 : i32 to index
    %get3A_104 = tpu.vector_load %arg9[%get3A_103] {strides = array<i32>} : memref<768xf32, #tpu.memory_space<vmem>>, vector<16xf32>,
    %get3A_105 = vector.shape_cast %get3A_104 : vector<16xf32> to vector<16xf32>
    %min3A_106 = arith.minimumf %get3A_98, %get3A_105 : vector<16xf32>
    %mul3A_107 = arith.constant 48 : i32
    %mul3A_108 = arith.muli %arg1, %mul3A_107 : i32
    %add3A_109 = arith.constant 32 : i32
    %add3A_110 = arith.addi %mul3A_108, %add3A_109 : i32
    %get3A_111 = arith.index_cast %add3A_110 : i32 to index
    %get3A_112 = tpu.vector_load %arg9[%get3A_111] {strides = array<i32>} : memref<768xf32, #tpu.memory_space<vmem>>, vector<16xf32>,
    %get3A_113 = vector.shape_cast %get3A_112 : vector<16xf32> to vector<16xf32>
    %mul3A_114 = arith.constant 48 : i32
    %mul3A_115 = arith.muli %xor3A_82, %mul3A_114 : i32
    %add3A_116 = arith.constant 32 : i32
    %add3A_117 = arith.addi %mul3A_115, %add3A_116 : i32
    %get3A_118 = arith.index_cast %add3A_117 : i32 to index
    %get3A_119 = tpu.vector_load %arg9[%get3A_118] {strides = array<i32>} : memref<768xf32, #tpu.memory_space<vmem>>, vector<16xf32>,
    %get3A_120 = vector.shape_cast %get3A_119 : vector<16xf32> to vector<16xf32>
    %max3A = arith.maximumf %get3A_113, %get3A_120 : vector<16xf32>
    %iota3A = tpu.iota {dimensions = array<i32: 0>} : vector<16xi32>
    %add3A_121 = arith.constant 8 : i32
    %add3A_122 = vector.broadcast %add3A_121 : i32 to vector<16xi32>
    %add3A_123 = arith.addi %iota3A, %add3A_122 : vector<16xi32>
    %and3A = arith.constant 15 : i32
    %and3A_124 = vector.broadcast %and3A : i32 to vector<16xi32>
    %and3A_125 = arith.andi %add3A_123, %and3A_124 : vector<16xi32>
    %lt3A = arith.constant 0 : i32
    %lt3A_126 = vector.broadcast %lt3A : i32 to vector<16xi32>
    %lt3A_127 = arith.cmpi slt, %and3A_125, %lt3A_126 : vector<16xi32>
    %add3A_128 = arith.constant 16 : i32
    %add3A_129 = vector.broadcast %add3A_128 : i32 to vector<16xi32>
    %add3A_130 = arith.addi %and3A_125, %add3A_129 : vector<16xi32>
    %select_n3A = arith.select %lt3A_127, %add3A_130, %and3A_125 : vector<16xi1>, vector<16xi32>
    %broadcast_in_dim3A_131 = vector.shape_cast %select_n3A : vector<16xi32> to vector<16x1xi32>
    %gather3A = vector.shape_cast %broadcast_in_dim3A_131 : vector<16x1xi32> to vector<16xi32>
    %gather3A_132 = tpu.dynamic_gather %min3A[%gather3A] in [0] : vector<16xf32>, vector<16xi32> -> vector<16xf32>
    %min3A_133 = arith.minimumf %min3A, %gather3A_132 : vector<16xf32>
    %lt3A_134 = arith.constant 0 : i32
    %lt3A_135 = vector.broadcast %lt3A_134 : i32 to vector<16xi32>
    %lt3A_136 = arith.cmpi slt, %and3A_125, %lt3A_135 : vector<16xi32>
    %add3A_137 = arith.constant 16 : i32
    %add3A_138 = vector.broadcast %add3A_137 : i32 to vector<16xi32>
    %add3A_139 = arith.addi %and3A_125, %add3A_138 : vector<16xi32>
    %select_n3A_140 = arith.select %lt3A_136, %add3A_139, %and3A_125 : vector<16xi1>, vector<16xi32>
    %broadcast_in_dim3A_141 = vector.shape_cast %select_n3A_140 : vector<16xi32> to vector<16x1xi32>
    %gather3A_142 = vector.shape_cast %broadcast_in_dim3A_141 : vector<16x1xi32> to vector<16xi32>
    %gather3A_143 = tpu.dynamic_gather %min3A_106[%gather3A_142] in [0] : vector<16xf32>, vector<16xi32> -> vector<16xf32>
    %min3A_144 = arith.minimumf %min3A_106, %gather3A_143 : vector<16xf32>
    %lt3A_145 = arith.constant 0 : i32
    %lt3A_146 = vector.broadcast %lt3A_145 : i32 to vector<16xi32>
    %lt3A_147 = arith.cmpi slt, %and3A_125, %lt3A_146 : vector<16xi32>
    %add3A_148 = arith.constant 16 : i32
    %add3A_149 = vector.broadcast %add3A_148 : i32 to vector<16xi32>
    %add3A_150 = arith.addi %and3A_125, %add3A_149 : vector<16xi32>
    %select_n3A_151 = arith.select %lt3A_147, %add3A_150, %and3A_125 : vector<16xi1>, vector<16xi32>
    %broadcast_in_dim3A_152 = vector.shape_cast %select_n3A_151 : vector<16xi32> to vector<16x1xi32>
    %gather3A_153 = vector.shape_cast %broadcast_in_dim3A_152 : vector<16x1xi32> to vector<16xi32>
    %gather3A_154 = tpu.dynamic_gather %max3A[%gather3A_153] in [0] : vector<16xf32>, vector<16xi32> -> vector<16xf32>
    %max3A_155 = arith.maximumf %max3A, %gather3A_154 : vector<16xf32>
    %add3A_156 = arith.constant 4 : i32
    %add3A_157 = vector.broadcast %add3A_156 : i32 to vector<16xi32>
    %add3A_158 = arith.addi %iota3A, %add3A_157 : vector<16xi32>
    %and3A_159 = arith.constant 15 : i32
    %and3A_160 = vector.broadcast %and3A_159 : i32 to vector<16xi32>
    %and3A_161 = arith.andi %add3A_158, %and3A_160 : vector<16xi32>
    %lt3A_162 = arith.constant 0 : i32
    %lt3A_163 = vector.broadcast %lt3A_162 : i32 to vector<16xi32>
    %lt3A_164 = arith.cmpi slt, %and3A_161, %lt3A_163 : vector<16xi32>
    %add3A_165 = arith.constant 16 : i32
    %add3A_166 = vector.broadcast %add3A_165 : i32 to vector<16xi32>
    %add3A_167 = arith.addi %and3A_161, %add3A_166 : vector<16xi32>
    %select_n3A_168 = arith.select %lt3A_164, %add3A_167, %and3A_161 : vector<16xi1>, vector<16xi32>
    %broadcast_in_dim3A_169 = vector.shape_cast %select_n3A_168 : vector<16xi32> to vector<16x1xi32>
    %gather3A_170 = vector.shape_cast %broadcast_in_dim3A_169 : vector<16x1xi32> to vector<16xi32>
    %gather3A_171 = tpu.dynamic_gather %min3A_133[%gather3A_170] in [0] : vector<16xf32>, vector<16xi32> -> vector<16xf32>
    %min3A_172 = arith.minimumf %min3A_133, %gather3A_171 : vector<16xf32>
    %lt3A_173 = arith.constant 0 : i32
    %lt3A_174 = vector.broadcast %lt3A_173 : i32 to vector<16xi32>
    %lt3A_175 = arith.cmpi slt, %and3A_161, %lt3A_174 : vector<16xi32>
    %add3A_176 = arith.constant 16 : i32
    %add3A_177 = vector.broadcast %add3A_176 : i32 to vector<16xi32>
    %add3A_178 = arith.addi %and3A_161, %add3A_177 : vector<16xi32>
    %select_n3A_179 = arith.select %lt3A_175, %add3A_178, %and3A_161 : vector<16xi1>, vector<16xi32>
    %broadcast_in_dim3A_180 = vector.shape_cast %select_n3A_179 : vector<16xi32> to vector<16x1xi32>
    %gather3A_181 = vector.shape_cast %broadcast_in_dim3A_180 : vector<16x1xi32> to vector<16xi32>
    %gather3A_182 = tpu.dynamic_gather %min3A_144[%gather3A_181] in [0] : vector<16xf32>, vector<16xi32> -> vector<16xf32>
    %min3A_183 = arith.minimumf %min3A_144, %gather3A_182 : vector<16xf32>
    %lt3A_184 = arith.constant 0 : i32
    %lt3A_185 = vector.broadcast %lt3A_184 : i32 to vector<16xi32>
    %lt3A_186 = arith.cmpi slt, %and3A_161, %lt3A_185 : vector<16xi32>
    %add3A_187 = arith.constant 16 : i32
    %add3A_188 = vector.broadcast %add3A_187 : i32 to vector<16xi32>
    %add3A_189 = arith.addi %and3A_161, %add3A_188 : vector<16xi32>
    %select_n3A_190 = arith.select %lt3A_186, %add3A_189, %and3A_161 : vector<16xi1>, vector<16xi32>
    %broadcast_in_dim3A_191 = vector.shape_cast %select_n3A_190 : vector<16xi32> to vector<16x1xi32>
    %gather3A_192 = vector.shape_cast %broadcast_in_dim3A_191 : vector<16x1xi32> to vector<16xi32>
    %gather3A_193 = tpu.dynamic_gather %max3A_155[%gather3A_192] in [0] : vector<16xf32>, vector<16xi32> -> vector<16xf32>
    %max3A_194 = arith.maximumf %max3A_155, %gather3A_193 : vector<16xf32>
    %add3A_195 = arith.constant 2 : i32
    %add3A_196 = vector.broadcast %add3A_195 : i32 to vector<16xi32>
    %add3A_197 = arith.addi %iota3A, %add3A_196 : vector<16xi32>
    %and3A_198 = arith.constant 15 : i32
    %and3A_199 = vector.broadcast %and3A_198 : i32 to vector<16xi32>
    %and3A_200 = arith.andi %add3A_197, %and3A_199 : vector<16xi32>
    %lt3A_201 = arith.constant 0 : i32
    %lt3A_202 = vector.broadcast %lt3A_201 : i32 to vector<16xi32>
    %lt3A_203 = arith.cmpi slt, %and3A_200, %lt3A_202 : vector<16xi32>
    %add3A_204 = arith.constant 16 : i32
    %add3A_205 = vector.broadcast %add3A_204 : i32 to vector<16xi32>
    %add3A_206 = arith.addi %and3A_200, %add3A_205 : vector<16xi32>
    %select_n3A_207 = arith.select %lt3A_203, %add3A_206, %and3A_200 : vector<16xi1>, vector<16xi32>
    %broadcast_in_dim3A_208 = vector.shape_cast %select_n3A_207 : vector<16xi32> to vector<16x1xi32>
    %gather3A_209 = vector.shape_cast %broadcast_in_dim3A_208 : vector<16x1xi32> to vector<16xi32>
    %gather3A_210 = tpu.dynamic_gather %min3A_172[%gather3A_209] in [0] : vector<16xf32>, vector<16xi32> -> vector<16xf32>
    %min3A_211 = arith.minimumf %min3A_172, %gather3A_210 : vector<16xf32>
    %lt3A_212 = arith.constant 0 : i32
    %lt3A_213 = vector.broadcast %lt3A_212 : i32 to vector<16xi32>
    %lt3A_214 = arith.cmpi slt, %and3A_200, %lt3A_213 : vector<16xi32>
    %add3A_215 = arith.constant 16 : i32
    %add3A_216 = vector.broadcast %add3A_215 : i32 to vector<16xi32>
    %add3A_217 = arith.addi %and3A_200, %add3A_216 : vector<16xi32>
    %select_n3A_218 = arith.select %lt3A_214, %add3A_217, %and3A_200 : vector<16xi1>, vector<16xi32>
    %broadcast_in_dim3A_219 = vector.shape_cast %select_n3A_218 : vector<16xi32> to vector<16x1xi32>
    %gather3A_220 = vector.shape_cast %broadcast_in_dim3A_219 : vector<16x1xi32> to vector<16xi32>
    %gather3A_221 = tpu.dynamic_gather %min3A_183[%gather3A_220] in [0] : vector<16xf32>, vector<16xi32> -> vector<16xf32>
    %min3A_222 = arith.minimumf %min3A_183, %gather3A_221 : vector<16xf32>
    %lt3A_223 = arith.constant 0 : i32
    %lt3A_224 = vector.broadcast %lt3A_223 : i32 to vector<16xi32>
    %lt3A_225 = arith.cmpi slt, %and3A_200, %lt3A_224 : vector<16xi32>
    %add3A_226 = arith.constant 16 : i32
    %add3A_227 = vector.broadcast %add3A_226 : i32 to vector<16xi32>
    %add3A_228 = arith.addi %and3A_200, %add3A_227 : vector<16xi32>
    %select_n3A_229 = arith.select %lt3A_225, %add3A_228, %and3A_200 : vector<16xi1>, vector<16xi32>
    %broadcast_in_dim3A_230 = vector.shape_cast %select_n3A_229 : vector<16xi32> to vector<16x1xi32>
    %gather3A_231 = vector.shape_cast %broadcast_in_dim3A_230 : vector<16x1xi32> to vector<16xi32>
    %gather3A_232 = tpu.dynamic_gather %max3A_194[%gather3A_231] in [0] : vector<16xf32>, vector<16xi32> -> vector<16xf32>
    %max3A_233 = arith.maximumf %max3A_194, %gather3A_232 : vector<16xf32>
    %add3A_234 = arith.constant 1 : i32
    %add3A_235 = vector.broadcast %add3A_234 : i32 to vector<16xi32>
    %add3A_236 = arith.addi %iota3A, %add3A_235 : vector<16xi32>
    %and3A_237 = arith.constant 15 : i32
    %and3A_238 = vector.broadcast %and3A_237 : i32 to vector<16xi32>
    %and3A_239 = arith.andi %add3A_236, %and3A_238 : vector<16xi32>
    %lt3A_240 = arith.constant 0 : i32
    %lt3A_241 = vector.broadcast %lt3A_240 : i32 to vector<16xi32>
    %lt3A_242 = arith.cmpi slt, %and3A_239, %lt3A_241 : vector<16xi32>
    %add3A_243 = arith.constant 16 : i32
    %add3A_244 = vector.broadcast %add3A_243 : i32 to vector<16xi32>
    %add3A_245 = arith.addi %and3A_239, %add3A_244 : vector<16xi32>
    %select_n3A_246 = arith.select %lt3A_242, %add3A_245, %and3A_239 : vector<16xi1>, vector<16xi32>
    %broadcast_in_dim3A_247 = vector.shape_cast %select_n3A_246 : vector<16xi32> to vector<16x1xi32>
    %gather3A_248 = vector.shape_cast %broadcast_in_dim3A_247 : vector<16x1xi32> to vector<16xi32>
    %gather3A_249 = tpu.dynamic_gather %min3A_211[%gather3A_248] in [0] : vector<16xf32>, vector<16xi32> -> vector<16xf32>
    %min3A_250 = arith.minimumf %min3A_211, %gather3A_249 : vector<16xf32>
    %lt3A_251 = arith.constant 0 : i32
    %lt3A_252 = vector.broadcast %lt3A_251 : i32 to vector<16xi32>
    %lt3A_253 = arith.cmpi slt, %and3A_239, %lt3A_252 : vector<16xi32>
    %add3A_254 = arith.constant 16 : i32
    %add3A_255 = vector.broadcast %add3A_254 : i32 to vector<16xi32>
    %add3A_256 = arith.addi %and3A_239, %add3A_255 : vector<16xi32>
    %select_n3A_257 = arith.select %lt3A_253, %add3A_256, %and3A_239 : vector<16xi1>, vector<16xi32>
    %broadcast_in_dim3A_258 = vector.shape_cast %select_n3A_257 : vector<16xi32> to vector<16x1xi32>
    %gather3A_259 = vector.shape_cast %broadcast_in_dim3A_258 : vector<16x1xi32> to vector<16xi32>
    %gather3A_260 = tpu.dynamic_gather %min3A_222[%gather3A_259] in [0] : vector<16xf32>, vector<16xi32> -> vector<16xf32>
    %min3A_261 = arith.minimumf %min3A_222, %gather3A_260 : vector<16xf32>
    %lt3A_262 = arith.constant 0 : i32
    %lt3A_263 = vector.broadcast %lt3A_262 : i32 to vector<16xi32>
    %lt3A_264 = arith.cmpi slt, %and3A_239, %lt3A_263 : vector<16xi32>
    %add3A_265 = arith.constant 16 : i32
    %add3A_266 = vector.broadcast %add3A_265 : i32 to vector<16xi32>
    %add3A_267 = arith.addi %and3A_239, %add3A_266 : vector<16xi32>
    %select_n3A_268 = arith.select %lt3A_264, %add3A_267, %and3A_239 : vector<16xi1>, vector<16xi32>
    %broadcast_in_dim3A_269 = vector.shape_cast %select_n3A_268 : vector<16xi32> to vector<16x1xi32>
    %gather3A_270 = vector.shape_cast %broadcast_in_dim3A_269 : vector<16x1xi32> to vector<16xi32>
    %gather3A_271 = tpu.dynamic_gather %max3A_233[%gather3A_270] in [0] : vector<16xf32>, vector<16xi32> -> vector<16xf32>
    %max3A_272 = arith.maximumf %max3A_233, %gather3A_271 : vector<16xf32>
    %eq3A = arith.constant 0.000000e+00 : f32
    %eq3A_273 = vector.broadcast %eq3A : f32 to vector<16xf32>
    %eq3A_274 = arith.cmpf oeq, %min3A_250, %eq3A_273 : vector<16xf32>
    %div3A = arith.constant 2.550000e+02 : f32
    %div3A_275 = vector.broadcast %div3A : f32 to vector<16xf32>
    %div3A_276 = arith.divf %min3A_261, %div3A_275 : vector<16xf32>
    %mul3A_277 = arith.constant 2.560000e+02 : f32
    %mul3A_278 = vector.broadcast %mul3A_277 : f32 to vector<16xf32>
    %mul3A_279 = arith.mulf %div3A_276, %mul3A_278 : vector<16xf32>
    %convert_element_type3A = arith.fptosi %mul3A_279 : vector<16xf32> to vector<16xi32>
    %div3A_280 = arith.constant 2.550000e+02 : f32
    %div3A_281 = vector.broadcast %div3A_280 : f32 to vector<16xf32>
    %div3A_282 = arith.divf %max3A_272, %div3A_281 : vector<16xf32>
    %mul3A_283 = arith.constant 2.560000e+02 : f32
    %mul3A_284 = vector.broadcast %mul3A_283 : f32 to vector<16xf32>
    %mul3A_285 = arith.mulf %div3A_282, %mul3A_284 : vector<16xf32>
    %convert_element_type3A_286 = arith.fptosi %mul3A_285 : vector<16xf32> to vector<16xi32>
    %ne3A = arith.cmpi ne, %convert_element_type3A, %convert_element_type3A_286 : vector<16xi32>
    %and3A_287 = arith.andi %eq3A_274, %ne3A : vector<16xi1>
    %jit3A = arith.constant 2.000000e+00 : f32
    %jit3A_288 = arith.constant 0.000000e+00 : f32
    %broadcast_in_dim3A_289 = vector.broadcast %jit3A : f32 to vector<16xf32>
    %broadcast_in_dim3A_290 = vector.broadcast %jit3A_288 : f32 to vector<16xf32>
    %select_n3A_291 = arith.select %and3A_287, %broadcast_in_dim3A_289, %broadcast_in_dim3A_290 : vector<16xi1>, vector<16xf32>
    %add3A_292 = arith.constant 0 : i32
    %add3A_293 = arith.addi %mul3A_2, %add3A_292 : i32
    "tpu.region"() ({
      %run_scoped3A = tpu.sem_alloc : memref<!tpu.dma_semaphore, #tpu.memory_space<semaphore_mem>>
      %dma_start3A = tpu.memref_slice %arg2[%add3A_293] : memref<4194304xf32, #tpu.memory_space<hbm>> -> memref<16384xf32, #tpu.memory_space<hbm>>
      %dma_start3A_388 = tpu.memref_slice %arg2[%add3A_293] : memref<4194304xf32, #tpu.memory_space<hbm>> -> memref<16384xf32, #tpu.memory_space<hbm>>
      tpu.enqueue_dma source(%dma_start3A_388 : memref<16384xf32, #tpu.memory_space<hbm>>) target(%arg5 : memref<16384xf32, #tpu.memory_space<vmem>>) target_semaphore(%run_scoped3A : memref<!tpu.dma_semaphore, #tpu.memory_space<semaphore_mem>>)
      %dma_wait3A = tpu.memref_slice %arg2[%add3A_293] : memref<4194304xf32, #tpu.memory_space<hbm>> -> memref<16384xf32, #tpu.memory_space<hbm>>
      %dma_wait3A_389 = tpu.memref_slice %arg2[%add3A_293] : memref<4194304xf32, #tpu.memory_space<hbm>> -> memref<16384xf32, #tpu.memory_space<hbm>>
      tpu.wait_dma2 semaphore(%run_scoped3A : memref<!tpu.dma_semaphore, #tpu.memory_space<semaphore_mem>>) src(%dma_wait3A_389 : memref<16384xf32, #tpu.memory_space<hbm>>) dst(%arg5 : memref<16384xf32, #tpu.memory_space<vmem>>)
      tpu.yield
    }) : () -> ()
    %scan3A_294 = arith.constant 0 : i32
    %scan3A_295 = arith.constant 0 : i32
    %scan3A_296 = arith.constant 1024 : i32
    %scan3A_297 = arith.addi %scan3A_295, %scan3A_296 : i32
    %scan3A_298 = arith.constant 1 : i32
    scf.for %scan3A_388 = %scan3A_295 to %scan3A_297 step %scan3A_298  : i32 {
      %mul3A_389 = arith.constant 16 : i32
      %mul3A_390 = arith.muli %scan3A_388, %mul3A_389 : i32
      %get3A_391 = arith.index_cast %mul3A_390 : i32 to index
      %get3A_392 = tpu.vector_load %arg5[%get3A_391] {strides = array<i32>} : memref<16384xf32, #tpu.memory_space<vmem>>, vector<16xf32>,
      %get3A_393 = vector.shape_cast %get3A_392 : vector<16xf32> to vector<16xf32>
      %mul3A_394 = arith.mulf %get3A_393, %select_n3A_291 : vector<16xf32>
      %sub3A = arith.constant 1.000000e+00 : f32
      %sub3A_395 = vector.broadcast %sub3A : f32 to vector<16xf32>
      %sub3A_396 = arith.subf %mul3A_394, %sub3A_395 : vector<16xf32>
      %neg3A = arith.constant 0.000000e+00 : f32
      %neg3A_397 = vector.broadcast %neg3A : f32 to vector<16xf32>
      %neg3A_398 = arith.subf %neg3A_397, %sub3A_396 : vector<16xf32>
      %exp3A = math.exp %neg3A_398 : vector<16xf32>
      %add3A_399 = arith.constant 1.000000e+00 : f32
      %add3A_400 = vector.broadcast %add3A_399 : f32 to vector<16xf32>
      %add3A_401 = arith.addf %add3A_400, %exp3A : vector<16xf32>
      %div3A_402 = arith.constant 1.000000e+00 : f32
      %div3A_403 = vector.broadcast %div3A_402 : f32 to vector<16xf32>
      %div3A_404 = arith.divf %div3A_403, %add3A_401 : vector<16xf32>
      %mul3A_405 = arith.constant 16 : i32
      %mul3A_406 = arith.muli %scan3A_388, %mul3A_405 : i32
      %swap3A_407 = arith.index_cast %mul3A_406 : i32 to index
      %swap3A_408 = tpu.vector_load %arg6[%swap3A_407] {strides = array<i32>} : memref<16384xf32, #tpu.memory_space<vmem>>, vector<16xf32>,
      %swap3A_409 = vector.shape_cast %swap3A_408 : vector<16xf32> to vector<16xf32>
      %swap3A_410 = vector.shape_cast %div3A_404 : vector<16xf32> to vector<16xf32>
      tpu.vector_store %arg6[%swap3A_407], %swap3A_410 {strides = array<i32>} : memref<16384xf32, #tpu.memory_space<vmem>>, vector<16xf32>,
      %sub3A_411 = arith.constant 1.000000e+00 : f32
      %sub3A_412 = vector.broadcast %sub3A_411 : f32 to vector<16xf32>
      %sub3A_413 = arith.subf %sub3A_412, %div3A_404 : vector<16xf32>
      %mul3A_414 = arith.constant 16 : i32
      %mul3A_415 = arith.muli %scan3A_388, %mul3A_414 : i32
      %swap3A_416 = arith.index_cast %mul3A_415 : i32 to index
      %swap3A_417 = tpu.vector_load %arg7[%swap3A_416] {strides = array<i32>} : memref<16384xf32, #tpu.memory_space<vmem>>, vector<16xf32>,
      %swap3A_418 = vector.shape_cast %swap3A_417 : vector<16xf32> to vector<16xf32>
      %swap3A_419 = vector.shape_cast %sub3A_413 : vector<16xf32> to vector<16xf32>
      tpu.vector_store %arg7[%swap3A_416], %swap3A_419 {strides = array<i32>} : memref<16384xf32, #tpu.memory_space<vmem>>, vector<16xf32>,
    }
    %scan3A_299 = arith.constant 1024 : i32
    %add3A_300 = arith.constant 0 : i32
    %add3A_301 = arith.addi %mul3A_2, %add3A_300 : i32
    "tpu.region"() ({
      %run_scoped3A = tpu.sem_alloc : memref<!tpu.dma_semaphore, #tpu.memory_space<semaphore_mem>>
      %dma_start3A = tpu.memref_slice %arg3[%add3A_301] : memref<4194304xf32, #tpu.memory_space<hbm>> -> memref<16384xf32, #tpu.memory_space<hbm>>
      %dma_start3A_388 = tpu.memref_slice %arg3[%add3A_301] : memref<4194304xf32, #tpu.memory_space<hbm>> -> memref<16384xf32, #tpu.memory_space<hbm>>
      tpu.enqueue_dma source(%arg6 : memref<16384xf32, #tpu.memory_space<vmem>>) target(%dma_start3A_388 : memref<16384xf32, #tpu.memory_space<hbm>>) target_semaphore(%run_scoped3A : memref<!tpu.dma_semaphore, #tpu.memory_space<semaphore_mem>>)
      %dma_wait3A = tpu.memref_slice %arg3[%add3A_301] : memref<4194304xf32, #tpu.memory_space<hbm>> -> memref<16384xf32, #tpu.memory_space<hbm>>
      %dma_wait3A_389 = tpu.memref_slice %arg3[%add3A_301] : memref<4194304xf32, #tpu.memory_space<hbm>> -> memref<16384xf32, #tpu.memory_space<hbm>>
      tpu.wait_dma2 semaphore(%run_scoped3A : memref<!tpu.dma_semaphore, #tpu.memory_space<semaphore_mem>>) src(%arg6 : memref<16384xf32, #tpu.memory_space<vmem>>) dst(%dma_wait3A_389 : memref<16384xf32, #tpu.memory_space<hbm>>)
      tpu.yield
    }) : () -> ()
    %add3A_302 = arith.constant 0 : i32
    %add3A_303 = arith.addi %mul3A_2, %add3A_302 : i32
    "tpu.region"() ({
      %run_scoped3A = tpu.sem_alloc : memref<!tpu.dma_semaphore, #tpu.memory_space<semaphore_mem>>
      %dma_start3A = tpu.memref_slice %arg4[%add3A_303] : memref<4194304xf32, #tpu.memory_space<hbm>> -> memref<16384xf32, #tpu.memory_space<hbm>>
      %dma_start3A_388 = tpu.memref_slice %arg4[%add3A_303] : memref<4194304xf32, #tpu.memory_space<hbm>> -> memref<16384xf32, #tpu.memory_space<hbm>>
      tpu.enqueue_dma source(%arg7 : memref<16384xf32, #tpu.memory_space<vmem>>) target(%dma_start3A_388 : memref<16384xf32, #tpu.memory_space<hbm>>) target_semaphore(%run_scoped3A : memref<!tpu.dma_semaphore, #tpu.memory_space<semaphore_mem>>)
      %dma_wait3A = tpu.memref_slice %arg4[%add3A_303] : memref<4194304xf32, #tpu.memory_space<hbm>> -> memref<16384xf32, #tpu.memory_space<hbm>>
      %dma_wait3A_389 = tpu.memref_slice %arg4[%add3A_303] : memref<4194304xf32, #tpu.memory_space<hbm>> -> memref<16384xf32, #tpu.memory_space<hbm>>
      tpu.wait_dma2 semaphore(%run_scoped3A : memref<!tpu.dma_semaphore, #tpu.memory_space<semaphore_mem>>) src(%arg7 : memref<16384xf32, #tpu.memory_space<vmem>>) dst(%dma_wait3A_389 : memref<16384xf32, #tpu.memory_space<hbm>>)
      tpu.yield
    }) : () -> ()
    %add3A_304 = arith.constant 16384 : i32
    %add3A_305 = arith.addi %mul3A_2, %add3A_304 : i32
    "tpu.region"() ({
      %run_scoped3A = tpu.sem_alloc : memref<!tpu.dma_semaphore, #tpu.memory_space<semaphore_mem>>
      %dma_start3A = tpu.memref_slice %arg2[%add3A_305] : memref<4194304xf32, #tpu.memory_space<hbm>> -> memref<16384xf32, #tpu.memory_space<hbm>>
      %dma_start3A_388 = tpu.memref_slice %arg2[%add3A_305] : memref<4194304xf32, #tpu.memory_space<hbm>> -> memref<16384xf32, #tpu.memory_space<hbm>>
      tpu.enqueue_dma source(%dma_start3A_388 : memref<16384xf32, #tpu.memory_space<hbm>>) target(%arg5 : memref<16384xf32, #tpu.memory_space<vmem>>) target_semaphore(%run_scoped3A : memref<!tpu.dma_semaphore, #tpu.memory_space<semaphore_mem>>)
      %dma_wait3A = tpu.memref_slice %arg2[%add3A_305] : memref<4194304xf32, #tpu.memory_space<hbm>> -> memref<16384xf32, #tpu.memory_space<hbm>>
      %dma_wait3A_389 = tpu.memref_slice %arg2[%add3A_305] : memref<4194304xf32, #tpu.memory_space<hbm>> -> memref<16384xf32, #tpu.memory_space<hbm>>
      tpu.wait_dma2 semaphore(%run_scoped3A : memref<!tpu.dma_semaphore, #tpu.memory_space<semaphore_mem>>) src(%dma_wait3A_389 : memref<16384xf32, #tpu.memory_space<hbm>>) dst(%arg5 : memref<16384xf32, #tpu.memory_space<vmem>>)
      tpu.yield
    }) : () -> ()
    %scan3A_306 = arith.constant 0 : i32
    %scan3A_307 = arith.constant 0 : i32
    %scan3A_308 = arith.constant 1024 : i32
    %scan3A_309 = arith.addi %scan3A_307, %scan3A_308 : i32
    %scan3A_310 = arith.constant 1 : i32
    scf.for %scan3A_388 = %scan3A_307 to %scan3A_309 step %scan3A_310  : i32 {
      %mul3A_389 = arith.constant 16 : i32
      %mul3A_390 = arith.muli %scan3A_388, %mul3A_389 : i32
      %get3A_391 = arith.index_cast %mul3A_390 : i32 to index
      %get3A_392 = tpu.vector_load %arg5[%get3A_391] {strides = array<i32>} : memref<16384xf32, #tpu.memory_space<vmem>>, vector<16xf32>,
      %get3A_393 = vector.shape_cast %get3A_392 : vector<16xf32> to vector<16xf32>
      %mul3A_394 = arith.mulf %get3A_393, %select_n3A_291 : vector<16xf32>
      %sub3A = arith.constant 1.000000e+00 : f32
      %sub3A_395 = vector.broadcast %sub3A : f32 to vector<16xf32>
      %sub3A_396 = arith.subf %mul3A_394, %sub3A_395 : vector<16xf32>
      %neg3A = arith.constant 0.000000e+00 : f32
      %neg3A_397 = vector.broadcast %neg3A : f32 to vector<16xf32>
      %neg3A_398 = arith.subf %neg3A_397, %sub3A_396 : vector<16xf32>
      %exp3A = math.exp %neg3A_398 : vector<16xf32>
      %add3A_399 = arith.constant 1.000000e+00 : f32
      %add3A_400 = vector.broadcast %add3A_399 : f32 to vector<16xf32>
      %add3A_401 = arith.addf %add3A_400, %exp3A : vector<16xf32>
      %div3A_402 = arith.constant 1.000000e+00 : f32
      %div3A_403 = vector.broadcast %div3A_402 : f32 to vector<16xf32>
      %div3A_404 = arith.divf %div3A_403, %add3A_401 : vector<16xf32>
      %mul3A_405 = arith.constant 16 : i32
      %mul3A_406 = arith.muli %scan3A_388, %mul3A_405 : i32
      %swap3A_407 = arith.index_cast %mul3A_406 : i32 to index
      %swap3A_408 = tpu.vector_load %arg6[%swap3A_407] {strides = array<i32>} : memref<16384xf32, #tpu.memory_space<vmem>>, vector<16xf32>,
      %swap3A_409 = vector.shape_cast %swap3A_408 : vector<16xf32> to vector<16xf32>
      %swap3A_410 = vector.shape_cast %div3A_404 : vector<16xf32> to vector<16xf32>
      tpu.vector_store %arg6[%swap3A_407], %swap3A_410 {strides = array<i32>} : memref<16384xf32, #tpu.memory_space<vmem>>, vector<16xf32>,
      %sub3A_411 = arith.constant 1.000000e+00 : f32
      %sub3A_412 = vector.broadcast %sub3A_411 : f32 to vector<16xf32>
      %sub3A_413 = arith.subf %sub3A_412, %div3A_404 : vector<16xf32>
      %mul3A_414 = arith.constant 16 : i32
      %mul3A_415 = arith.muli %scan3A_388, %mul3A_414 : i32
      %swap3A_416 = arith.index_cast %mul3A_415 : i32 to index
      %swap3A_417 = tpu.vector_load %arg7[%swap3A_416] {strides = array<i32>} : memref<16384xf32, #tpu.memory_space<vmem>>, vector<16xf32>,
      %swap3A_418 = vector.shape_cast %swap3A_417 : vector<16xf32> to vector<16xf32>
      %swap3A_419 = vector.shape_cast %sub3A_413 : vector<16xf32> to vector<16xf32>
      tpu.vector_store %arg7[%swap3A_416], %swap3A_419 {strides = array<i32>} : memref<16384xf32, #tpu.memory_space<vmem>>, vector<16xf32>,
    }
    %scan3A_311 = arith.constant 1024 : i32
    %add3A_312 = arith.constant 16384 : i32
    %add3A_313 = arith.addi %mul3A_2, %add3A_312 : i32
    "tpu.region"() ({
      %run_scoped3A = tpu.sem_alloc : memref<!tpu.dma_semaphore, #tpu.memory_space<semaphore_mem>>
      %dma_start3A = tpu.memref_slice %arg3[%add3A_313] : memref<4194304xf32, #tpu.memory_space<hbm>> -> memref<16384xf32, #tpu.memory_space<hbm>>
      %dma_start3A_388 = tpu.memref_slice %arg3[%add3A_313] : memref<4194304xf32, #tpu.memory_space<hbm>> -> memref<16384xf32, #tpu.memory_space<hbm>>
      tpu.enqueue_dma source(%arg6 : memref<16384xf32, #tpu.memory_space<vmem>>) target(%dma_start3A_388 : memref<16384xf32, #tpu.memory_space<hbm>>) target_semaphore(%run_scoped3A : memref<!tpu.dma_semaphore, #tpu.memory_space<semaphore_mem>>)
      %dma_wait3A = tpu.memref_slice %arg3[%add3A_313] : memref<4194304xf32, #tpu.memory_space<hbm>> -> memref<16384xf32, #tpu.memory_space<hbm>>
      %dma_wait3A_389 = tpu.memref_slice %arg3[%add3A_313] : memref<4194304xf32, #tpu.memory_space<hbm>> -> memref<16384xf32, #tpu.memory_space<hbm>>
      tpu.wait_dma2 semaphore(%run_scoped3A : memref<!tpu.dma_semaphore, #tpu.memory_space<semaphore_mem>>) src(%arg6 : memref<16384xf32, #tpu.memory_space<vmem>>) dst(%dma_wait3A_389 : memref<16384xf32, #tpu.memory_space<hbm>>)
      tpu.yield
    }) : () -> ()
    %add3A_314 = arith.constant 16384 : i32
    %add3A_315 = arith.addi %mul3A_2, %add3A_314 : i32
    "tpu.region"() ({
      %run_scoped3A = tpu.sem_alloc : memref<!tpu.dma_semaphore, #tpu.memory_space<semaphore_mem>>
      %dma_start3A = tpu.memref_slice %arg4[%add3A_315] : memref<4194304xf32, #tpu.memory_space<hbm>> -> memref<16384xf32, #tpu.memory_space<hbm>>
      %dma_start3A_388 = tpu.memref_slice %arg4[%add3A_315] : memref<4194304xf32, #tpu.memory_space<hbm>> -> memref<16384xf32, #tpu.memory_space<hbm>>
      tpu.enqueue_dma source(%arg7 : memref<16384xf32, #tpu.memory_space<vmem>>) target(%dma_start3A_388 : memref<16384xf32, #tpu.memory_space<hbm>>) target_semaphore(%run_scoped3A : memref<!tpu.dma_semaphore, #tpu.memory_space<semaphore_mem>>)
      %dma_wait3A = tpu.memref_slice %arg4[%add3A_315] : memref<4194304xf32, #tpu.memory_space<hbm>> -> memref<16384xf32, #tpu.memory_space<hbm>>
      %dma_wait3A_389 = tpu.memref_slice %arg4[%add3A_315] : memref<4194304xf32, #tpu.memory_space<hbm>> -> memref<16384xf32, #tpu.memory_space<hbm>>
      tpu.wait_dma2 semaphore(%run_scoped3A : memref<!tpu.dma_semaphore, #tpu.memory_space<semaphore_mem>>) src(%arg7 : memref<16384xf32, #tpu.memory_space<vmem>>) dst(%dma_wait3A_389 : memref<16384xf32, #tpu.memory_space<hbm>>)
      tpu.yield
    }) : () -> ()
    %add3A_316 = arith.constant 32768 : i32
    %add3A_317 = arith.addi %mul3A_2, %add3A_316 : i32
    "tpu.region"() ({
      %run_scoped3A = tpu.sem_alloc : memref<!tpu.dma_semaphore, #tpu.memory_space<semaphore_mem>>
      %dma_start3A = tpu.memref_slice %arg2[%add3A_317] : memref<4194304xf32, #tpu.memory_space<hbm>> -> memref<16384xf32, #tpu.memory_space<hbm>>
      %dma_start3A_388 = tpu.memref_slice %arg2[%add3A_317] : memref<4194304xf32, #tpu.memory_space<hbm>> -> memref<16384xf32, #tpu.memory_space<hbm>>
      tpu.enqueue_dma source(%dma_start3A_388 : memref<16384xf32, #tpu.memory_space<hbm>>) target(%arg5 : memref<16384xf32, #tpu.memory_space<vmem>>) target_semaphore(%run_scoped3A : memref<!tpu.dma_semaphore, #tpu.memory_space<semaphore_mem>>)
      %dma_wait3A = tpu.memref_slice %arg2[%add3A_317] : memref<4194304xf32, #tpu.memory_space<hbm>> -> memref<16384xf32, #tpu.memory_space<hbm>>
      %dma_wait3A_389 = tpu.memref_slice %arg2[%add3A_317] : memref<4194304xf32, #tpu.memory_space<hbm>> -> memref<16384xf32, #tpu.memory_space<hbm>>
      tpu.wait_dma2 semaphore(%run_scoped3A : memref<!tpu.dma_semaphore, #tpu.memory_space<semaphore_mem>>) src(%dma_wait3A_389 : memref<16384xf32, #tpu.memory_space<hbm>>) dst(%arg5 : memref<16384xf32, #tpu.memory_space<vmem>>)
      tpu.yield
    }) : () -> ()
    %scan3A_318 = arith.constant 0 : i32
    %scan3A_319 = arith.constant 0 : i32
    %scan3A_320 = arith.constant 1024 : i32
    %scan3A_321 = arith.addi %scan3A_319, %scan3A_320 : i32
    %scan3A_322 = arith.constant 1 : i32
    scf.for %scan3A_388 = %scan3A_319 to %scan3A_321 step %scan3A_322  : i32 {
      %mul3A_389 = arith.constant 16 : i32
      %mul3A_390 = arith.muli %scan3A_388, %mul3A_389 : i32
      %get3A_391 = arith.index_cast %mul3A_390 : i32 to index
      %get3A_392 = tpu.vector_load %arg5[%get3A_391] {strides = array<i32>} : memref<16384xf32, #tpu.memory_space<vmem>>, vector<16xf32>,
      %get3A_393 = vector.shape_cast %get3A_392 : vector<16xf32> to vector<16xf32>
      %mul3A_394 = arith.mulf %get3A_393, %select_n3A_291 : vector<16xf32>
      %sub3A = arith.constant 1.000000e+00 : f32
      %sub3A_395 = vector.broadcast %sub3A : f32 to vector<16xf32>
      %sub3A_396 = arith.subf %mul3A_394, %sub3A_395 : vector<16xf32>
      %neg3A = arith.constant 0.000000e+00 : f32
      %neg3A_397 = vector.broadcast %neg3A : f32 to vector<16xf32>
      %neg3A_398 = arith.subf %neg3A_397, %sub3A_396 : vector<16xf32>
      %exp3A = math.exp %neg3A_398 : vector<16xf32>
      %add3A_399 = arith.constant 1.000000e+00 : f32
      %add3A_400 = vector.broadcast %add3A_399 : f32 to vector<16xf32>
      %add3A_401 = arith.addf %add3A_400, %exp3A : vector<16xf32>
      %div3A_402 = arith.constant 1.000000e+00 : f32
      %div3A_403 = vector.broadcast %div3A_402 : f32 to vector<16xf32>
      %div3A_404 = arith.divf %div3A_403, %add3A_401 : vector<16xf32>
      %mul3A_405 = arith.constant 16 : i32
      %mul3A_406 = arith.muli %scan3A_388, %mul3A_405 : i32
      %swap3A_407 = arith.index_cast %mul3A_406 : i32 to index
      %swap3A_408 = tpu.vector_load %arg6[%swap3A_407] {strides = array<i32>} : memref<16384xf32, #tpu.memory_space<vmem>>, vector<16xf32>,
      %swap3A_409 = vector.shape_cast %swap3A_408 : vector<16xf32> to vector<16xf32>
      %swap3A_410 = vector.shape_cast %div3A_404 : vector<16xf32> to vector<16xf32>
      tpu.vector_store %arg6[%swap3A_407], %swap3A_410 {strides = array<i32>} : memref<16384xf32, #tpu.memory_space<vmem>>, vector<16xf32>,
      %sub3A_411 = arith.constant 1.000000e+00 : f32
      %sub3A_412 = vector.broadcast %sub3A_411 : f32 to vector<16xf32>
      %sub3A_413 = arith.subf %sub3A_412, %div3A_404 : vector<16xf32>
      %mul3A_414 = arith.constant 16 : i32
      %mul3A_415 = arith.muli %scan3A_388, %mul3A_414 : i32
      %swap3A_416 = arith.index_cast %mul3A_415 : i32 to index
      %swap3A_417 = tpu.vector_load %arg7[%swap3A_416] {strides = array<i32>} : memref<16384xf32, #tpu.memory_space<vmem>>, vector<16xf32>,
      %swap3A_418 = vector.shape_cast %swap3A_417 : vector<16xf32> to vector<16xf32>
      %swap3A_419 = vector.shape_cast %sub3A_413 : vector<16xf32> to vector<16xf32>
      tpu.vector_store %arg7[%swap3A_416], %swap3A_419 {strides = array<i32>} : memref<16384xf32, #tpu.memory_space<vmem>>, vector<16xf32>,
    }
    %scan3A_323 = arith.constant 1024 : i32
    %add3A_324 = arith.constant 32768 : i32
    %add3A_325 = arith.addi %mul3A_2, %add3A_324 : i32
    "tpu.region"() ({
      %run_scoped3A = tpu.sem_alloc : memref<!tpu.dma_semaphore, #tpu.memory_space<semaphore_mem>>
      %dma_start3A = tpu.memref_slice %arg3[%add3A_325] : memref<4194304xf32, #tpu.memory_space<hbm>> -> memref<16384xf32, #tpu.memory_space<hbm>>
      %dma_start3A_388 = tpu.memref_slice %arg3[%add3A_325] : memref<4194304xf32, #tpu.memory_space<hbm>> -> memref<16384xf32, #tpu.memory_space<hbm>>
      tpu.enqueue_dma source(%arg6 : memref<16384xf32, #tpu.memory_space<vmem>>) target(%dma_start3A_388 : memref<16384xf32, #tpu.memory_space<hbm>>) target_semaphore(%run_scoped3A : memref<!tpu.dma_semaphore, #tpu.memory_space<semaphore_mem>>)
      %dma_wait3A = tpu.memref_slice %arg3[%add3A_325] : memref<4194304xf32, #tpu.memory_space<hbm>> -> memref<16384xf32, #tpu.memory_space<hbm>>
      %dma_wait3A_389 = tpu.memref_slice %arg3[%add3A_325] : memref<4194304xf32, #tpu.memory_space<hbm>> -> memref<16384xf32, #tpu.memory_space<hbm>>
      tpu.wait_dma2 semaphore(%run_scoped3A : memref<!tpu.dma_semaphore, #tpu.memory_space<semaphore_mem>>) src(%arg6 : memref<16384xf32, #tpu.memory_space<vmem>>) dst(%dma_wait3A_389 : memref<16384xf32, #tpu.memory_space<hbm>>)
      tpu.yield
    }) : () -> ()
    %add3A_326 = arith.constant 32768 : i32
    %add3A_327 = arith.addi %mul3A_2, %add3A_326 : i32
    "tpu.region"() ({
      %run_scoped3A = tpu.sem_alloc : memref<!tpu.dma_semaphore, #tpu.memory_space<semaphore_mem>>
      %dma_start3A = tpu.memref_slice %arg4[%add3A_327] : memref<4194304xf32, #tpu.memory_space<hbm>> -> memref<16384xf32, #tpu.memory_space<hbm>>
      %dma_start3A_388 = tpu.memref_slice %arg4[%add3A_327] : memref<4194304xf32, #tpu.memory_space<hbm>> -> memref<16384xf32, #tpu.memory_space<hbm>>
      tpu.enqueue_dma source(%arg7 : memref<16384xf32, #tpu.memory_space<vmem>>) target(%dma_start3A_388 : memref<16384xf32, #tpu.memory_space<hbm>>) target_semaphore(%run_scoped3A : memref<!tpu.dma_semaphore, #tpu.memory_space<semaphore_mem>>)
      %dma_wait3A = tpu.memref_slice %arg4[%add3A_327] : memref<4194304xf32, #tpu.memory_space<hbm>> -> memref<16384xf32, #tpu.memory_space<hbm>>
      %dma_wait3A_389 = tpu.memref_slice %arg4[%add3A_327] : memref<4194304xf32, #tpu.memory_space<hbm>> -> memref<16384xf32, #tpu.memory_space<hbm>>
      tpu.wait_dma2 semaphore(%run_scoped3A : memref<!tpu.dma_semaphore, #tpu.memory_space<semaphore_mem>>) src(%arg7 : memref<16384xf32, #tpu.memory_space<vmem>>) dst(%dma_wait3A_389 : memref<16384xf32, #tpu.memory_space<hbm>>)
      tpu.yield
    }) : () -> ()
    %add3A_328 = arith.constant 49152 : i32
    %add3A_329 = arith.addi %mul3A_2, %add3A_328 : i32
    "tpu.region"() ({
      %run_scoped3A = tpu.sem_alloc : memref<!tpu.dma_semaphore, #tpu.memory_space<semaphore_mem>>
      %dma_start3A = tpu.memref_slice %arg2[%add3A_329] : memref<4194304xf32, #tpu.memory_space<hbm>> -> memref<16384xf32, #tpu.memory_space<hbm>>
      %dma_start3A_388 = tpu.memref_slice %arg2[%add3A_329] : memref<4194304xf32, #tpu.memory_space<hbm>> -> memref<16384xf32, #tpu.memory_space<hbm>>
      tpu.enqueue_dma source(%dma_start3A_388 : memref<16384xf32, #tpu.memory_space<hbm>>) target(%arg5 : memref<16384xf32, #tpu.memory_space<vmem>>) target_semaphore(%run_scoped3A : memref<!tpu.dma_semaphore, #tpu.memory_space<semaphore_mem>>)
      %dma_wait3A = tpu.memref_slice %arg2[%add3A_329] : memref<4194304xf32, #tpu.memory_space<hbm>> -> memref<16384xf32, #tpu.memory_space<hbm>>
      %dma_wait3A_389 = tpu.memref_slice %arg2[%add3A_329] : memref<4194304xf32, #tpu.memory_space<hbm>> -> memref<16384xf32, #tpu.memory_space<hbm>>
      tpu.wait_dma2 semaphore(%run_scoped3A : memref<!tpu.dma_semaphore, #tpu.memory_space<semaphore_mem>>) src(%dma_wait3A_389 : memref<16384xf32, #tpu.memory_space<hbm>>) dst(%arg5 : memref<16384xf32, #tpu.memory_space<vmem>>)
      tpu.yield
    }) : () -> ()
    %scan3A_330 = arith.constant 0 : i32
    %scan3A_331 = arith.constant 0 : i32
    %scan3A_332 = arith.constant 1024 : i32
    %scan3A_333 = arith.addi %scan3A_331, %scan3A_332 : i32
    %scan3A_334 = arith.constant 1 : i32
    scf.for %scan3A_388 = %scan3A_331 to %scan3A_333 step %scan3A_334  : i32 {
      %mul3A_389 = arith.constant 16 : i32
      %mul3A_390 = arith.muli %scan3A_388, %mul3A_389 : i32
      %get3A_391 = arith.index_cast %mul3A_390 : i32 to index
      %get3A_392 = tpu.vector_load %arg5[%get3A_391] {strides = array<i32>} : memref<16384xf32, #tpu.memory_space<vmem>>, vector<16xf32>,
      %get3A_393 = vector.shape_cast %get3A_392 : vector<16xf32> to vector<16xf32>
      %mul3A_394 = arith.mulf %get3A_393, %select_n3A_291 : vector<16xf32>
      %sub3A = arith.constant 1.000000e+00 : f32
      %sub3A_395 = vector.broadcast %sub3A : f32 to vector<16xf32>
      %sub3A_396 = arith.subf %mul3A_394, %sub3A_395 : vector<16xf32>
      %neg3A = arith.constant 0.000000e+00 : f32
      %neg3A_397 = vector.broadcast %neg3A : f32 to vector<16xf32>
      %neg3A_398 = arith.subf %neg3A_397, %sub3A_396 : vector<16xf32>
      %exp3A = math.exp %neg3A_398 : vector<16xf32>
      %add3A_399 = arith.constant 1.000000e+00 : f32
      %add3A_400 = vector.broadcast %add3A_399 : f32 to vector<16xf32>
      %add3A_401 = arith.addf %add3A_400, %exp3A : vector<16xf32>
      %div3A_402 = arith.constant 1.000000e+00 : f32
      %div3A_403 = vector.broadcast %div3A_402 : f32 to vector<16xf32>
      %div3A_404 = arith.divf %div3A_403, %add3A_401 : vector<16xf32>
      %mul3A_405 = arith.constant 16 : i32
      %mul3A_406 = arith.muli %scan3A_388, %mul3A_405 : i32
      %swap3A_407 = arith.index_cast %mul3A_406 : i32 to index
      %swap3A_408 = tpu.vector_load %arg6[%swap3A_407] {strides = array<i32>} : memref<16384xf32, #tpu.memory_space<vmem>>, vector<16xf32>,
      %swap3A_409 = vector.shape_cast %swap3A_408 : vector<16xf32> to vector<16xf32>
      %swap3A_410 = vector.shape_cast %div3A_404 : vector<16xf32> to vector<16xf32>
      tpu.vector_store %arg6[%swap3A_407], %swap3A_410 {strides = array<i32>} : memref<16384xf32, #tpu.memory_space<vmem>>, vector<16xf32>,
      %sub3A_411 = arith.constant 1.000000e+00 : f32
      %sub3A_412 = vector.broadcast %sub3A_411 : f32 to vector<16xf32>
      %sub3A_413 = arith.subf %sub3A_412, %div3A_404 : vector<16xf32>
      %mul3A_414 = arith.constant 16 : i32
      %mul3A_415 = arith.muli %scan3A_388, %mul3A_414 : i32
      %swap3A_416 = arith.index_cast %mul3A_415 : i32 to index
      %swap3A_417 = tpu.vector_load %arg7[%swap3A_416] {strides = array<i32>} : memref<16384xf32, #tpu.memory_space<vmem>>, vector<16xf32>,
      %swap3A_418 = vector.shape_cast %swap3A_417 : vector<16xf32> to vector<16xf32>
      %swap3A_419 = vector.shape_cast %sub3A_413 : vector<16xf32> to vector<16xf32>
      tpu.vector_store %arg7[%swap3A_416], %swap3A_419 {strides = array<i32>} : memref<16384xf32, #tpu.memory_space<vmem>>, vector<16xf32>,
    }
    %scan3A_335 = arith.constant 1024 : i32
    %add3A_336 = arith.constant 49152 : i32
    %add3A_337 = arith.addi %mul3A_2, %add3A_336 : i32
    "tpu.region"() ({
      %run_scoped3A = tpu.sem_alloc : memref<!tpu.dma_semaphore, #tpu.memory_space<semaphore_mem>>
      %dma_start3A = tpu.memref_slice %arg3[%add3A_337] : memref<4194304xf32, #tpu.memory_space<hbm>> -> memref<16384xf32, #tpu.memory_space<hbm>>
      %dma_start3A_388 = tpu.memref_slice %arg3[%add3A_337] : memref<4194304xf32, #tpu.memory_space<hbm>> -> memref<16384xf32, #tpu.memory_space<hbm>>
      tpu.enqueue_dma source(%arg6 : memref<16384xf32, #tpu.memory_space<vmem>>) target(%dma_start3A_388 : memref<16384xf32, #tpu.memory_space<hbm>>) target_semaphore(%run_scoped3A : memref<!tpu.dma_semaphore, #tpu.memory_space<semaphore_mem>>)
      %dma_wait3A = tpu.memref_slice %arg3[%add3A_337] : memref<4194304xf32, #tpu.memory_space<hbm>> -> memref<16384xf32, #tpu.memory_space<hbm>>
      %dma_wait3A_389 = tpu.memref_slice %arg3[%add3A_337] : memref<4194304xf32, #tpu.memory_space<hbm>> -> memref<16384xf32, #tpu.memory_space<hbm>>
      tpu.wait_dma2 semaphore(%run_scoped3A : memref<!tpu.dma_semaphore, #tpu.memory_space<semaphore_mem>>) src(%arg6 : memref<16384xf32, #tpu.memory_space<vmem>>) dst(%dma_wait3A_389 : memref<16384xf32, #tpu.memory_space<hbm>>)
      tpu.yield
    }) : () -> ()
    %add3A_338 = arith.constant 49152 : i32
    %add3A_339 = arith.addi %mul3A_2, %add3A_338 : i32
    "tpu.region"() ({
      %run_scoped3A = tpu.sem_alloc : memref<!tpu.dma_semaphore, #tpu.memory_space<semaphore_mem>>
      %dma_start3A = tpu.memref_slice %arg4[%add3A_339] : memref<4194304xf32, #tpu.memory_space<hbm>> -> memref<16384xf32, #tpu.memory_space<hbm>>
      %dma_start3A_388 = tpu.memref_slice %arg4[%add3A_339] : memref<4194304xf32, #tpu.memory_space<hbm>> -> memref<16384xf32, #tpu.memory_space<hbm>>
      tpu.enqueue_dma source(%arg7 : memref<16384xf32, #tpu.memory_space<vmem>>) target(%dma_start3A_388 : memref<16384xf32, #tpu.memory_space<hbm>>) target_semaphore(%run_scoped3A : memref<!tpu.dma_semaphore, #tpu.memory_space<semaphore_mem>>)
      %dma_wait3A = tpu.memref_slice %arg4[%add3A_339] : memref<4194304xf32, #tpu.memory_space<hbm>> -> memref<16384xf32, #tpu.memory_space<hbm>>
      %dma_wait3A_389 = tpu.memref_slice %arg4[%add3A_339] : memref<4194304xf32, #tpu.memory_space<hbm>> -> memref<16384xf32, #tpu.memory_space<hbm>>
      tpu.wait_dma2 semaphore(%run_scoped3A : memref<!tpu.dma_semaphore, #tpu.memory_space<semaphore_mem>>) src(%arg7 : memref<16384xf32, #tpu.memory_space<vmem>>) dst(%dma_wait3A_389 : memref<16384xf32, #tpu.memory_space<hbm>>)
      tpu.yield
    }) : () -> ()
    %add3A_340 = arith.constant 65536 : i32
    %add3A_341 = arith.addi %mul3A_2, %add3A_340 : i32
    "tpu.region"() ({
      %run_scoped3A = tpu.sem_alloc : memref<!tpu.dma_semaphore, #tpu.memory_space<semaphore_mem>>
      %dma_start3A = tpu.memref_slice %arg2[%add3A_341] : memref<4194304xf32, #tpu.memory_space<hbm>> -> memref<16384xf32, #tpu.memory_space<hbm>>
      %dma_start3A_388 = tpu.memref_slice %arg2[%add3A_341] : memref<4194304xf32, #tpu.memory_space<hbm>> -> memref<16384xf32, #tpu.memory_space<hbm>>
      tpu.enqueue_dma source(%dma_start3A_388 : memref<16384xf32, #tpu.memory_space<hbm>>) target(%arg5 : memref<16384xf32, #tpu.memory_space<vmem>>) target_semaphore(%run_scoped3A : memref<!tpu.dma_semaphore, #tpu.memory_space<semaphore_mem>>)
      %dma_wait3A = tpu.memref_slice %arg2[%add3A_341] : memref<4194304xf32, #tpu.memory_space<hbm>> -> memref<16384xf32, #tpu.memory_space<hbm>>
      %dma_wait3A_389 = tpu.memref_slice %arg2[%add3A_341] : memref<4194304xf32, #tpu.memory_space<hbm>> -> memref<16384xf32, #tpu.memory_space<hbm>>
      tpu.wait_dma2 semaphore(%run_scoped3A : memref<!tpu.dma_semaphore, #tpu.memory_space<semaphore_mem>>) src(%dma_wait3A_389 : memref<16384xf32, #tpu.memory_space<hbm>>) dst(%arg5 : memref<16384xf32, #tpu.memory_space<vmem>>)
      tpu.yield
    }) : () -> ()
    %scan3A_342 = arith.constant 0 : i32
    %scan3A_343 = arith.constant 0 : i32
    %scan3A_344 = arith.constant 1024 : i32
    %scan3A_345 = arith.addi %scan3A_343, %scan3A_344 : i32
    %scan3A_346 = arith.constant 1 : i32
    scf.for %scan3A_388 = %scan3A_343 to %scan3A_345 step %scan3A_346  : i32 {
      %mul3A_389 = arith.constant 16 : i32
      %mul3A_390 = arith.muli %scan3A_388, %mul3A_389 : i32
      %get3A_391 = arith.index_cast %mul3A_390 : i32 to index
      %get3A_392 = tpu.vector_load %arg5[%get3A_391] {strides = array<i32>} : memref<16384xf32, #tpu.memory_space<vmem>>, vector<16xf32>,
      %get3A_393 = vector.shape_cast %get3A_392 : vector<16xf32> to vector<16xf32>
      %mul3A_394 = arith.mulf %get3A_393, %select_n3A_291 : vector<16xf32>
      %sub3A = arith.constant 1.000000e+00 : f32
      %sub3A_395 = vector.broadcast %sub3A : f32 to vector<16xf32>
      %sub3A_396 = arith.subf %mul3A_394, %sub3A_395 : vector<16xf32>
      %neg3A = arith.constant 0.000000e+00 : f32
      %neg3A_397 = vector.broadcast %neg3A : f32 to vector<16xf32>
      %neg3A_398 = arith.subf %neg3A_397, %sub3A_396 : vector<16xf32>
      %exp3A = math.exp %neg3A_398 : vector<16xf32>
      %add3A_399 = arith.constant 1.000000e+00 : f32
      %add3A_400 = vector.broadcast %add3A_399 : f32 to vector<16xf32>
      %add3A_401 = arith.addf %add3A_400, %exp3A : vector<16xf32>
      %div3A_402 = arith.constant 1.000000e+00 : f32
      %div3A_403 = vector.broadcast %div3A_402 : f32 to vector<16xf32>
      %div3A_404 = arith.divf %div3A_403, %add3A_401 : vector<16xf32>
      %mul3A_405 = arith.constant 16 : i32
      %mul3A_406 = arith.muli %scan3A_388, %mul3A_405 : i32
      %swap3A_407 = arith.index_cast %mul3A_406 : i32 to index
      %swap3A_408 = tpu.vector_load %arg6[%swap3A_407] {strides = array<i32>} : memref<16384xf32, #tpu.memory_space<vmem>>, vector<16xf32>,
      %swap3A_409 = vector.shape_cast %swap3A_408 : vector<16xf32> to vector<16xf32>
      %swap3A_410 = vector.shape_cast %div3A_404 : vector<16xf32> to vector<16xf32>
      tpu.vector_store %arg6[%swap3A_407], %swap3A_410 {strides = array<i32>} : memref<16384xf32, #tpu.memory_space<vmem>>, vector<16xf32>,
      %sub3A_411 = arith.constant 1.000000e+00 : f32
      %sub3A_412 = vector.broadcast %sub3A_411 : f32 to vector<16xf32>
      %sub3A_413 = arith.subf %sub3A_412, %div3A_404 : vector<16xf32>
      %mul3A_414 = arith.constant 16 : i32
      %mul3A_415 = arith.muli %scan3A_388, %mul3A_414 : i32
      %swap3A_416 = arith.index_cast %mul3A_415 : i32 to index
      %swap3A_417 = tpu.vector_load %arg7[%swap3A_416] {strides = array<i32>} : memref<16384xf32, #tpu.memory_space<vmem>>, vector<16xf32>,
      %swap3A_418 = vector.shape_cast %swap3A_417 : vector<16xf32> to vector<16xf32>
      %swap3A_419 = vector.shape_cast %sub3A_413 : vector<16xf32> to vector<16xf32>
      tpu.vector_store %arg7[%swap3A_416], %swap3A_419 {strides = array<i32>} : memref<16384xf32, #tpu.memory_space<vmem>>, vector<16xf32>,
    }
    %scan3A_347 = arith.constant 1024 : i32
    %add3A_348 = arith.constant 65536 : i32
    %add3A_349 = arith.addi %mul3A_2, %add3A_348 : i32
    "tpu.region"() ({
      %run_scoped3A = tpu.sem_alloc : memref<!tpu.dma_semaphore, #tpu.memory_space<semaphore_mem>>
      %dma_start3A = tpu.memref_slice %arg3[%add3A_349] : memref<4194304xf32, #tpu.memory_space<hbm>> -> memref<16384xf32, #tpu.memory_space<hbm>>
      %dma_start3A_388 = tpu.memref_slice %arg3[%add3A_349] : memref<4194304xf32, #tpu.memory_space<hbm>> -> memref<16384xf32, #tpu.memory_space<hbm>>
      tpu.enqueue_dma source(%arg6 : memref<16384xf32, #tpu.memory_space<vmem>>) target(%dma_start3A_388 : memref<16384xf32, #tpu.memory_space<hbm>>) target_semaphore(%run_scoped3A : memref<!tpu.dma_semaphore, #tpu.memory_space<semaphore_mem>>)
      %dma_wait3A = tpu.memref_slice %arg3[%add3A_349] : memref<4194304xf32, #tpu.memory_space<hbm>> -> memref<16384xf32, #tpu.memory_space<hbm>>
      %dma_wait3A_389 = tpu.memref_slice %arg3[%add3A_349] : memref<4194304xf32, #tpu.memory_space<hbm>> -> memref<16384xf32, #tpu.memory_space<hbm>>
      tpu.wait_dma2 semaphore(%run_scoped3A : memref<!tpu.dma_semaphore, #tpu.memory_space<semaphore_mem>>) src(%arg6 : memref<16384xf32, #tpu.memory_space<vmem>>) dst(%dma_wait3A_389 : memref<16384xf32, #tpu.memory_space<hbm>>)
      tpu.yield
    }) : () -> ()
    %add3A_350 = arith.constant 65536 : i32
    %add3A_351 = arith.addi %mul3A_2, %add3A_350 : i32
    "tpu.region"() ({
      %run_scoped3A = tpu.sem_alloc : memref<!tpu.dma_semaphore, #tpu.memory_space<semaphore_mem>>
      %dma_start3A = tpu.memref_slice %arg4[%add3A_351] : memref<4194304xf32, #tpu.memory_space<hbm>> -> memref<16384xf32, #tpu.memory_space<hbm>>
      %dma_start3A_388 = tpu.memref_slice %arg4[%add3A_351] : memref<4194304xf32, #tpu.memory_space<hbm>> -> memref<16384xf32, #tpu.memory_space<hbm>>
      tpu.enqueue_dma source(%arg7 : memref<16384xf32, #tpu.memory_space<vmem>>) target(%dma_start3A_388 : memref<16384xf32, #tpu.memory_space<hbm>>) target_semaphore(%run_scoped3A : memref<!tpu.dma_semaphore, #tpu.memory_space<semaphore_mem>>)
      %dma_wait3A = tpu.memref_slice %arg4[%add3A_351] : memref<4194304xf32, #tpu.memory_space<hbm>> -> memref<16384xf32, #tpu.memory_space<hbm>>
      %dma_wait3A_389 = tpu.memref_slice %arg4[%add3A_351] : memref<4194304xf32, #tpu.memory_space<hbm>> -> memref<16384xf32, #tpu.memory_space<hbm>>
      tpu.wait_dma2 semaphore(%run_scoped3A : memref<!tpu.dma_semaphore, #tpu.memory_space<semaphore_mem>>) src(%arg7 : memref<16384xf32, #tpu.memory_space<vmem>>) dst(%dma_wait3A_389 : memref<16384xf32, #tpu.memory_space<hbm>>)
      tpu.yield
    }) : () -> ()
    %add3A_352 = arith.constant 81920 : i32
    %add3A_353 = arith.addi %mul3A_2, %add3A_352 : i32
    "tpu.region"() ({
      %run_scoped3A = tpu.sem_alloc : memref<!tpu.dma_semaphore, #tpu.memory_space<semaphore_mem>>
      %dma_start3A = tpu.memref_slice %arg2[%add3A_353] : memref<4194304xf32, #tpu.memory_space<hbm>> -> memref<16384xf32, #tpu.memory_space<hbm>>
      %dma_start3A_388 = tpu.memref_slice %arg2[%add3A_353] : memref<4194304xf32, #tpu.memory_space<hbm>> -> memref<16384xf32, #tpu.memory_space<hbm>>
      tpu.enqueue_dma source(%dma_start3A_388 : memref<16384xf32, #tpu.memory_space<hbm>>) target(%arg5 : memref<16384xf32, #tpu.memory_space<vmem>>) target_semaphore(%run_scoped3A : memref<!tpu.dma_semaphore, #tpu.memory_space<semaphore_mem>>)
      %dma_wait3A = tpu.memref_slice %arg2[%add3A_353] : memref<4194304xf32, #tpu.memory_space<hbm>> -> memref<16384xf32, #tpu.memory_space<hbm>>
      %dma_wait3A_389 = tpu.memref_slice %arg2[%add3A_353] : memref<4194304xf32, #tpu.memory_space<hbm>> -> memref<16384xf32, #tpu.memory_space<hbm>>
      tpu.wait_dma2 semaphore(%run_scoped3A : memref<!tpu.dma_semaphore, #tpu.memory_space<semaphore_mem>>) src(%dma_wait3A_389 : memref<16384xf32, #tpu.memory_space<hbm>>) dst(%arg5 : memref<16384xf32, #tpu.memory_space<vmem>>)
      tpu.yield
    }) : () -> ()
    %scan3A_354 = arith.constant 0 : i32
    %scan3A_355 = arith.constant 0 : i32
    %scan3A_356 = arith.constant 1024 : i32
    %scan3A_357 = arith.addi %scan3A_355, %scan3A_356 : i32
    %scan3A_358 = arith.constant 1 : i32
    scf.for %scan3A_388 = %scan3A_355 to %scan3A_357 step %scan3A_358  : i32 {
      %mul3A_389 = arith.constant 16 : i32
      %mul3A_390 = arith.muli %scan3A_388, %mul3A_389 : i32
      %get3A_391 = arith.index_cast %mul3A_390 : i32 to index
      %get3A_392 = tpu.vector_load %arg5[%get3A_391] {strides = array<i32>} : memref<16384xf32, #tpu.memory_space<vmem>>, vector<16xf32>,
      %get3A_393 = vector.shape_cast %get3A_392 : vector<16xf32> to vector<16xf32>
      %mul3A_394 = arith.mulf %get3A_393, %select_n3A_291 : vector<16xf32>
      %sub3A = arith.constant 1.000000e+00 : f32
      %sub3A_395 = vector.broadcast %sub3A : f32 to vector<16xf32>
      %sub3A_396 = arith.subf %mul3A_394, %sub3A_395 : vector<16xf32>
      %neg3A = arith.constant 0.000000e+00 : f32
      %neg3A_397 = vector.broadcast %neg3A : f32 to vector<16xf32>
      %neg3A_398 = arith.subf %neg3A_397, %sub3A_396 : vector<16xf32>
      %exp3A = math.exp %neg3A_398 : vector<16xf32>
      %add3A_399 = arith.constant 1.000000e+00 : f32
      %add3A_400 = vector.broadcast %add3A_399 : f32 to vector<16xf32>
      %add3A_401 = arith.addf %add3A_400, %exp3A : vector<16xf32>
      %div3A_402 = arith.constant 1.000000e+00 : f32
      %div3A_403 = vector.broadcast %div3A_402 : f32 to vector<16xf32>
      %div3A_404 = arith.divf %div3A_403, %add3A_401 : vector<16xf32>
      %mul3A_405 = arith.constant 16 : i32
      %mul3A_406 = arith.muli %scan3A_388, %mul3A_405 : i32
      %swap3A_407 = arith.index_cast %mul3A_406 : i32 to index
      %swap3A_408 = tpu.vector_load %arg6[%swap3A_407] {strides = array<i32>} : memref<16384xf32, #tpu.memory_space<vmem>>, vector<16xf32>,
      %swap3A_409 = vector.shape_cast %swap3A_408 : vector<16xf32> to vector<16xf32>
      %swap3A_410 = vector.shape_cast %div3A_404 : vector<16xf32> to vector<16xf32>
      tpu.vector_store %arg6[%swap3A_407], %swap3A_410 {strides = array<i32>} : memref<16384xf32, #tpu.memory_space<vmem>>, vector<16xf32>,
      %sub3A_411 = arith.constant 1.000000e+00 : f32
      %sub3A_412 = vector.broadcast %sub3A_411 : f32 to vector<16xf32>
      %sub3A_413 = arith.subf %sub3A_412, %div3A_404 : vector<16xf32>
      %mul3A_414 = arith.constant 16 : i32
      %mul3A_415 = arith.muli %scan3A_388, %mul3A_414 : i32
      %swap3A_416 = arith.index_cast %mul3A_415 : i32 to index
      %swap3A_417 = tpu.vector_load %arg7[%swap3A_416] {strides = array<i32>} : memref<16384xf32, #tpu.memory_space<vmem>>, vector<16xf32>,
      %swap3A_418 = vector.shape_cast %swap3A_417 : vector<16xf32> to vector<16xf32>
      %swap3A_419 = vector.shape_cast %sub3A_413 : vector<16xf32> to vector<16xf32>
      tpu.vector_store %arg7[%swap3A_416], %swap3A_419 {strides = array<i32>} : memref<16384xf32, #tpu.memory_space<vmem>>, vector<16xf32>,
    }
    %scan3A_359 = arith.constant 1024 : i32
    %add3A_360 = arith.constant 81920 : i32
    %add3A_361 = arith.addi %mul3A_2, %add3A_360 : i32
    "tpu.region"() ({
      %run_scoped3A = tpu.sem_alloc : memref<!tpu.dma_semaphore, #tpu.memory_space<semaphore_mem>>
      %dma_start3A = tpu.memref_slice %arg3[%add3A_361] : memref<4194304xf32, #tpu.memory_space<hbm>> -> memref<16384xf32, #tpu.memory_space<hbm>>
      %dma_start3A_388 = tpu.memref_slice %arg3[%add3A_361] : memref<4194304xf32, #tpu.memory_space<hbm>> -> memref<16384xf32, #tpu.memory_space<hbm>>
      tpu.enqueue_dma source(%arg6 : memref<16384xf32, #tpu.memory_space<vmem>>) target(%dma_start3A_388 : memref<16384xf32, #tpu.memory_space<hbm>>) target_semaphore(%run_scoped3A : memref<!tpu.dma_semaphore, #tpu.memory_space<semaphore_mem>>)
      %dma_wait3A = tpu.memref_slice %arg3[%add3A_361] : memref<4194304xf32, #tpu.memory_space<hbm>> -> memref<16384xf32, #tpu.memory_space<hbm>>
      %dma_wait3A_389 = tpu.memref_slice %arg3[%add3A_361] : memref<4194304xf32, #tpu.memory_space<hbm>> -> memref<16384xf32, #tpu.memory_space<hbm>>
      tpu.wait_dma2 semaphore(%run_scoped3A : memref<!tpu.dma_semaphore, #tpu.memory_space<semaphore_mem>>) src(%arg6 : memref<16384xf32, #tpu.memory_space<vmem>>) dst(%dma_wait3A_389 : memref<16384xf32, #tpu.memory_space<hbm>>)
      tpu.yield
    }) : () -> ()
    %add3A_362 = arith.constant 81920 : i32
    %add3A_363 = arith.addi %mul3A_2, %add3A_362 : i32
    "tpu.region"() ({
      %run_scoped3A = tpu.sem_alloc : memref<!tpu.dma_semaphore, #tpu.memory_space<semaphore_mem>>
      %dma_start3A = tpu.memref_slice %arg4[%add3A_363] : memref<4194304xf32, #tpu.memory_space<hbm>> -> memref<16384xf32, #tpu.memory_space<hbm>>
      %dma_start3A_388 = tpu.memref_slice %arg4[%add3A_363] : memref<4194304xf32, #tpu.memory_space<hbm>> -> memref<16384xf32, #tpu.memory_space<hbm>>
      tpu.enqueue_dma source(%arg7 : memref<16384xf32, #tpu.memory_space<vmem>>) target(%dma_start3A_388 : memref<16384xf32, #tpu.memory_space<hbm>>) target_semaphore(%run_scoped3A : memref<!tpu.dma_semaphore, #tpu.memory_space<semaphore_mem>>)
      %dma_wait3A = tpu.memref_slice %arg4[%add3A_363] : memref<4194304xf32, #tpu.memory_space<hbm>> -> memref<16384xf32, #tpu.memory_space<hbm>>
      %dma_wait3A_389 = tpu.memref_slice %arg4[%add3A_363] : memref<4194304xf32, #tpu.memory_space<hbm>> -> memref<16384xf32, #tpu.memory_space<hbm>>
      tpu.wait_dma2 semaphore(%run_scoped3A : memref<!tpu.dma_semaphore, #tpu.memory_space<semaphore_mem>>) src(%arg7 : memref<16384xf32, #tpu.memory_space<vmem>>) dst(%dma_wait3A_389 : memref<16384xf32, #tpu.memory_space<hbm>>)
      tpu.yield
    }) : () -> ()
    %add3A_364 = arith.constant 98304 : i32
    %add3A_365 = arith.addi %mul3A_2, %add3A_364 : i32
    "tpu.region"() ({
      %run_scoped3A = tpu.sem_alloc : memref<!tpu.dma_semaphore, #tpu.memory_space<semaphore_mem>>
      %dma_start3A = tpu.memref_slice %arg2[%add3A_365] : memref<4194304xf32, #tpu.memory_space<hbm>> -> memref<16384xf32, #tpu.memory_space<hbm>>
      %dma_start3A_388 = tpu.memref_slice %arg2[%add3A_365] : memref<4194304xf32, #tpu.memory_space<hbm>> -> memref<16384xf32, #tpu.memory_space<hbm>>
      tpu.enqueue_dma source(%dma_start3A_388 : memref<16384xf32, #tpu.memory_space<hbm>>) target(%arg5 : memref<16384xf32, #tpu.memory_space<vmem>>) target_semaphore(%run_scoped3A : memref<!tpu.dma_semaphore, #tpu.memory_space<semaphore_mem>>)
      %dma_wait3A = tpu.memref_slice %arg2[%add3A_365] : memref<4194304xf32, #tpu.memory_space<hbm>> -> memref<16384xf32, #tpu.memory_space<hbm>>
      %dma_wait3A_389 = tpu.memref_slice %arg2[%add3A_365] : memref<4194304xf32, #tpu.memory_space<hbm>> -> memref<16384xf32, #tpu.memory_space<hbm>>
      tpu.wait_dma2 semaphore(%run_scoped3A : memref<!tpu.dma_semaphore, #tpu.memory_space<semaphore_mem>>) src(%dma_wait3A_389 : memref<16384xf32, #tpu.memory_space<hbm>>) dst(%arg5 : memref<16384xf32, #tpu.memory_space<vmem>>)
      tpu.yield
    }) : () -> ()
    %scan3A_366 = arith.constant 0 : i32
    %scan3A_367 = arith.constant 0 : i32
    %scan3A_368 = arith.constant 1024 : i32
    %scan3A_369 = arith.addi %scan3A_367, %scan3A_368 : i32
    %scan3A_370 = arith.constant 1 : i32
    scf.for %scan3A_388 = %scan3A_367 to %scan3A_369 step %scan3A_370  : i32 {
      %mul3A_389 = arith.constant 16 : i32
      %mul3A_390 = arith.muli %scan3A_388, %mul3A_389 : i32
      %get3A_391 = arith.index_cast %mul3A_390 : i32 to index
      %get3A_392 = tpu.vector_load %arg5[%get3A_391] {strides = array<i32>} : memref<16384xf32, #tpu.memory_space<vmem>>, vector<16xf32>,
      %get3A_393 = vector.shape_cast %get3A_392 : vector<16xf32> to vector<16xf32>
      %mul3A_394 = arith.mulf %get3A_393, %select_n3A_291 : vector<16xf32>
      %sub3A = arith.constant 1.000000e+00 : f32
      %sub3A_395 = vector.broadcast %sub3A : f32 to vector<16xf32>
      %sub3A_396 = arith.subf %mul3A_394, %sub3A_395 : vector<16xf32>
      %neg3A = arith.constant 0.000000e+00 : f32
      %neg3A_397 = vector.broadcast %neg3A : f32 to vector<16xf32>
      %neg3A_398 = arith.subf %neg3A_397, %sub3A_396 : vector<16xf32>
      %exp3A = math.exp %neg3A_398 : vector<16xf32>
      %add3A_399 = arith.constant 1.000000e+00 : f32
      %add3A_400 = vector.broadcast %add3A_399 : f32 to vector<16xf32>
      %add3A_401 = arith.addf %add3A_400, %exp3A : vector<16xf32>
      %div3A_402 = arith.constant 1.000000e+00 : f32
      %div3A_403 = vector.broadcast %div3A_402 : f32 to vector<16xf32>
      %div3A_404 = arith.divf %div3A_403, %add3A_401 : vector<16xf32>
      %mul3A_405 = arith.constant 16 : i32
      %mul3A_406 = arith.muli %scan3A_388, %mul3A_405 : i32
      %swap3A_407 = arith.index_cast %mul3A_406 : i32 to index
      %swap3A_408 = tpu.vector_load %arg6[%swap3A_407] {strides = array<i32>} : memref<16384xf32, #tpu.memory_space<vmem>>, vector<16xf32>,
      %swap3A_409 = vector.shape_cast %swap3A_408 : vector<16xf32> to vector<16xf32>
      %swap3A_410 = vector.shape_cast %div3A_404 : vector<16xf32> to vector<16xf32>
      tpu.vector_store %arg6[%swap3A_407], %swap3A_410 {strides = array<i32>} : memref<16384xf32, #tpu.memory_space<vmem>>, vector<16xf32>,
      %sub3A_411 = arith.constant 1.000000e+00 : f32
      %sub3A_412 = vector.broadcast %sub3A_411 : f32 to vector<16xf32>
      %sub3A_413 = arith.subf %sub3A_412, %div3A_404 : vector<16xf32>
      %mul3A_414 = arith.constant 16 : i32
      %mul3A_415 = arith.muli %scan3A_388, %mul3A_414 : i32
      %swap3A_416 = arith.index_cast %mul3A_415 : i32 to index
      %swap3A_417 = tpu.vector_load %arg7[%swap3A_416] {strides = array<i32>} : memref<16384xf32, #tpu.memory_space<vmem>>, vector<16xf32>,
      %swap3A_418 = vector.shape_cast %swap3A_417 : vector<16xf32> to vector<16xf32>
      %swap3A_419 = vector.shape_cast %sub3A_413 : vector<16xf32> to vector<16xf32>
      tpu.vector_store %arg7[%swap3A_416], %swap3A_419 {strides = array<i32>} : memref<16384xf32, #tpu.memory_space<vmem>>, vector<16xf32>,
    }
    %scan3A_371 = arith.constant 1024 : i32
    %add3A_372 = arith.constant 98304 : i32
    %add3A_373 = arith.addi %mul3A_2, %add3A_372 : i32
    "tpu.region"() ({
      %run_scoped3A = tpu.sem_alloc : memref<!tpu.dma_semaphore, #tpu.memory_space<semaphore_mem>>
      %dma_start3A = tpu.memref_slice %arg3[%add3A_373] : memref<4194304xf32, #tpu.memory_space<hbm>> -> memref<16384xf32, #tpu.memory_space<hbm>>
      %dma_start3A_388 = tpu.memref_slice %arg3[%add3A_373] : memref<4194304xf32, #tpu.memory_space<hbm>> -> memref<16384xf32, #tpu.memory_space<hbm>>
      tpu.enqueue_dma source(%arg6 : memref<16384xf32, #tpu.memory_space<vmem>>) target(%dma_start3A_388 : memref<16384xf32, #tpu.memory_space<hbm>>) target_semaphore(%run_scoped3A : memref<!tpu.dma_semaphore, #tpu.memory_space<semaphore_mem>>)
      %dma_wait3A = tpu.memref_slice %arg3[%add3A_373] : memref<4194304xf32, #tpu.memory_space<hbm>> -> memref<16384xf32, #tpu.memory_space<hbm>>
      %dma_wait3A_389 = tpu.memref_slice %arg3[%add3A_373] : memref<4194304xf32, #tpu.memory_space<hbm>> -> memref<16384xf32, #tpu.memory_space<hbm>>
      tpu.wait_dma2 semaphore(%run_scoped3A : memref<!tpu.dma_semaphore, #tpu.memory_space<semaphore_mem>>) src(%arg6 : memref<16384xf32, #tpu.memory_space<vmem>>) dst(%dma_wait3A_389 : memref<16384xf32, #tpu.memory_space<hbm>>)
      tpu.yield
    }) : () -> ()
    %add3A_374 = arith.constant 98304 : i32
    %add3A_375 = arith.addi %mul3A_2, %add3A_374 : i32
    "tpu.region"() ({
      %run_scoped3A = tpu.sem_alloc : memref<!tpu.dma_semaphore, #tpu.memory_space<semaphore_mem>>
      %dma_start3A = tpu.memref_slice %arg4[%add3A_375] : memref<4194304xf32, #tpu.memory_space<hbm>> -> memref<16384xf32, #tpu.memory_space<hbm>>
      %dma_start3A_388 = tpu.memref_slice %arg4[%add3A_375] : memref<4194304xf32, #tpu.memory_space<hbm>> -> memref<16384xf32, #tpu.memory_space<hbm>>
      tpu.enqueue_dma source(%arg7 : memref<16384xf32, #tpu.memory_space<vmem>>) target(%dma_start3A_388 : memref<16384xf32, #tpu.memory_space<hbm>>) target_semaphore(%run_scoped3A : memref<!tpu.dma_semaphore, #tpu.memory_space<semaphore_mem>>)
      %dma_wait3A = tpu.memref_slice %arg4[%add3A_375] : memref<4194304xf32, #tpu.memory_space<hbm>> -> memref<16384xf32, #tpu.memory_space<hbm>>
      %dma_wait3A_389 = tpu.memref_slice %arg4[%add3A_375] : memref<4194304xf32, #tpu.memory_space<hbm>> -> memref<16384xf32, #tpu.memory_space<hbm>>
      tpu.wait_dma2 semaphore(%run_scoped3A : memref<!tpu.dma_semaphore, #tpu.memory_space<semaphore_mem>>) src(%arg7 : memref<16384xf32, #tpu.memory_space<vmem>>) dst(%dma_wait3A_389 : memref<16384xf32, #tpu.memory_space<hbm>>)
      tpu.yield
    }) : () -> ()
    %add3A_376 = arith.constant 114688 : i32
    %add3A_377 = arith.addi %mul3A_2, %add3A_376 : i32
    "tpu.region"() ({
      %run_scoped3A = tpu.sem_alloc : memref<!tpu.dma_semaphore, #tpu.memory_space<semaphore_mem>>
      %dma_start3A = tpu.memref_slice %arg2[%add3A_377] : memref<4194304xf32, #tpu.memory_space<hbm>> -> memref<16384xf32, #tpu.memory_space<hbm>>
      %dma_start3A_388 = tpu.memref_slice %arg2[%add3A_377] : memref<4194304xf32, #tpu.memory_space<hbm>> -> memref<16384xf32, #tpu.memory_space<hbm>>
      tpu.enqueue_dma source(%dma_start3A_388 : memref<16384xf32, #tpu.memory_space<hbm>>) target(%arg5 : memref<16384xf32, #tpu.memory_space<vmem>>) target_semaphore(%run_scoped3A : memref<!tpu.dma_semaphore, #tpu.memory_space<semaphore_mem>>)
      %dma_wait3A = tpu.memref_slice %arg2[%add3A_377] : memref<4194304xf32, #tpu.memory_space<hbm>> -> memref<16384xf32, #tpu.memory_space<hbm>>
      %dma_wait3A_389 = tpu.memref_slice %arg2[%add3A_377] : memref<4194304xf32, #tpu.memory_space<hbm>> -> memref<16384xf32, #tpu.memory_space<hbm>>
      tpu.wait_dma2 semaphore(%run_scoped3A : memref<!tpu.dma_semaphore, #tpu.memory_space<semaphore_mem>>) src(%dma_wait3A_389 : memref<16384xf32, #tpu.memory_space<hbm>>) dst(%arg5 : memref<16384xf32, #tpu.memory_space<vmem>>)
      tpu.yield
    }) : () -> ()
    %scan3A_378 = arith.constant 0 : i32
    %scan3A_379 = arith.constant 0 : i32
    %scan3A_380 = arith.constant 1024 : i32
    %scan3A_381 = arith.addi %scan3A_379, %scan3A_380 : i32
    %scan3A_382 = arith.constant 1 : i32
    scf.for %scan3A_388 = %scan3A_379 to %scan3A_381 step %scan3A_382  : i32 {
      %mul3A_389 = arith.constant 16 : i32
      %mul3A_390 = arith.muli %scan3A_388, %mul3A_389 : i32
      %get3A_391 = arith.index_cast %mul3A_390 : i32 to index
      %get3A_392 = tpu.vector_load %arg5[%get3A_391] {strides = array<i32>} : memref<16384xf32, #tpu.memory_space<vmem>>, vector<16xf32>,
      %get3A_393 = vector.shape_cast %get3A_392 : vector<16xf32> to vector<16xf32>
      %mul3A_394 = arith.mulf %get3A_393, %select_n3A_291 : vector<16xf32>
      %sub3A = arith.constant 1.000000e+00 : f32
      %sub3A_395 = vector.broadcast %sub3A : f32 to vector<16xf32>
      %sub3A_396 = arith.subf %mul3A_394, %sub3A_395 : vector<16xf32>
      %neg3A = arith.constant 0.000000e+00 : f32
      %neg3A_397 = vector.broadcast %neg3A : f32 to vector<16xf32>
      %neg3A_398 = arith.subf %neg3A_397, %sub3A_396 : vector<16xf32>
      %exp3A = math.exp %neg3A_398 : vector<16xf32>
      %add3A_399 = arith.constant 1.000000e+00 : f32
      %add3A_400 = vector.broadcast %add3A_399 : f32 to vector<16xf32>
      %add3A_401 = arith.addf %add3A_400, %exp3A : vector<16xf32>
      %div3A_402 = arith.constant 1.000000e+00 : f32
      %div3A_403 = vector.broadcast %div3A_402 : f32 to vector<16xf32>
      %div3A_404 = arith.divf %div3A_403, %add3A_401 : vector<16xf32>
      %mul3A_405 = arith.constant 16 : i32
      %mul3A_406 = arith.muli %scan3A_388, %mul3A_405 : i32
      %swap3A_407 = arith.index_cast %mul3A_406 : i32 to index
      %swap3A_408 = tpu.vector_load %arg6[%swap3A_407] {strides = array<i32>} : memref<16384xf32, #tpu.memory_space<vmem>>, vector<16xf32>,
      %swap3A_409 = vector.shape_cast %swap3A_408 : vector<16xf32> to vector<16xf32>
      %swap3A_410 = vector.shape_cast %div3A_404 : vector<16xf32> to vector<16xf32>
      tpu.vector_store %arg6[%swap3A_407], %swap3A_410 {strides = array<i32>} : memref<16384xf32, #tpu.memory_space<vmem>>, vector<16xf32>,
      %sub3A_411 = arith.constant 1.000000e+00 : f32
      %sub3A_412 = vector.broadcast %sub3A_411 : f32 to vector<16xf32>
      %sub3A_413 = arith.subf %sub3A_412, %div3A_404 : vector<16xf32>
      %mul3A_414 = arith.constant 16 : i32
      %mul3A_415 = arith.muli %scan3A_388, %mul3A_414 : i32
      %swap3A_416 = arith.index_cast %mul3A_415 : i32 to index
      %swap3A_417 = tpu.vector_load %arg7[%swap3A_416] {strides = array<i32>} : memref<16384xf32, #tpu.memory_space<vmem>>, vector<16xf32>,
      %swap3A_418 = vector.shape_cast %swap3A_417 : vector<16xf32> to vector<16xf32>
      %swap3A_419 = vector.shape_cast %sub3A_413 : vector<16xf32> to vector<16xf32>
      tpu.vector_store %arg7[%swap3A_416], %swap3A_419 {strides = array<i32>} : memref<16384xf32, #tpu.memory_space<vmem>>, vector<16xf32>,
    }
    %scan3A_383 = arith.constant 1024 : i32
    %add3A_384 = arith.constant 114688 : i32
    %add3A_385 = arith.addi %mul3A_2, %add3A_384 : i32
    "tpu.region"() ({
      %run_scoped3A = tpu.sem_alloc : memref<!tpu.dma_semaphore, #tpu.memory_space<semaphore_mem>>
      %dma_start3A = tpu.memref_slice %arg3[%add3A_385] : memref<4194304xf32, #tpu.memory_space<hbm>> -> memref<16384xf32, #tpu.memory_space<hbm>>
      %dma_start3A_388 = tpu.memref_slice %arg3[%add3A_385] : memref<4194304xf32, #tpu.memory_space<hbm>> -> memref<16384xf32, #tpu.memory_space<hbm>>
      tpu.enqueue_dma source(%arg6 : memref<16384xf32, #tpu.memory_space<vmem>>) target(%dma_start3A_388 : memref<16384xf32, #tpu.memory_space<hbm>>) target_semaphore(%run_scoped3A : memref<!tpu.dma_semaphore, #tpu.memory_space<semaphore_mem>>)
      %dma_wait3A = tpu.memref_slice %arg3[%add3A_385] : memref<4194304xf32, #tpu.memory_space<hbm>> -> memref<16384xf32, #tpu.memory_space<hbm>>
      %dma_wait3A_389 = tpu.memref_slice %arg3[%add3A_385] : memref<4194304xf32, #tpu.memory_space<hbm>> -> memref<16384xf32, #tpu.memory_space<hbm>>
      tpu.wait_dma2 semaphore(%run_scoped3A : memref<!tpu.dma_semaphore, #tpu.memory_space<semaphore_mem>>) src(%arg6 : memref<16384xf32, #tpu.memory_space<vmem>>) dst(%dma_wait3A_389 : memref<16384xf32, #tpu.memory_space<hbm>>)
      tpu.yield
    }) : () -> ()
    %add3A_386 = arith.constant 114688 : i32
    %add3A_387 = arith.addi %mul3A_2, %add3A_386 : i32
    "tpu.region"() ({
      %run_scoped3A = tpu.sem_alloc : memref<!tpu.dma_semaphore, #tpu.memory_space<semaphore_mem>>
      %dma_start3A = tpu.memref_slice %arg4[%add3A_387] : memref<4194304xf32, #tpu.memory_space<hbm>> -> memref<16384xf32, #tpu.memory_space<hbm>>
      %dma_start3A_388 = tpu.memref_slice %arg4[%add3A_387] : memref<4194304xf32, #tpu.memory_space<hbm>> -> memref<16384xf32, #tpu.memory_space<hbm>>
      tpu.enqueue_dma source(%arg7 : memref<16384xf32, #tpu.memory_space<vmem>>) target(%dma_start3A_388 : memref<16384xf32, #tpu.memory_space<hbm>>) target_semaphore(%run_scoped3A : memref<!tpu.dma_semaphore, #tpu.memory_space<semaphore_mem>>)
      %dma_wait3A = tpu.memref_slice %arg4[%add3A_387] : memref<4194304xf32, #tpu.memory_space<hbm>> -> memref<16384xf32, #tpu.memory_space<hbm>>
      %dma_wait3A_389 = tpu.memref_slice %arg4[%add3A_387] : memref<4194304xf32, #tpu.memory_space<hbm>> -> memref<16384xf32, #tpu.memory_space<hbm>>
      tpu.wait_dma2 semaphore(%run_scoped3A : memref<!tpu.dma_semaphore, #tpu.memory_space<semaphore_mem>>) src(%arg7 : memref<16384xf32, #tpu.memory_space<vmem>>) dst(%dma_wait3A_389 : memref<16384xf32, #tpu.memory_space<hbm>>)
      tpu.yield
    }) : () -> ()
    return
  }
}

</mosaic_0001>

<sc_bundles>
// kernel: kernel.3.cloned.1.call-start
scs
__scs_entry_jumppad:
0x0: {  	(pc) =	sbr.rel $0x88, $3  }
0x1: {  	(tag) =	ssettag $0x0;
	lr =	simm.s32 $0x1  }
0x2: {  	[smem:$0x3FA0] =	sst lr;
	_ =	strace $0xD0000000  }
0x3: {  	_ = 	snop  }
0x4: {  	_ = 	snop  }
0x5: {  	_ = 	snop  }
0x6: {  	_ = 	snop  }
0x7: {  	_ = 	snop  }
__scs_overlays_trampoline_lowered:
0x8: {  	[smem:$0x3FAF] =	sst s0  }
0x9: {  	[smem:$0x3FB0] =	sst s1  }
0xa: {  	[smem:$0x3FB1] =	sst s2  }
0xb: {  	[smem:$0x3FB2] =	sst s3  }
0xc: {  	[smem:$0x3FB3] =	sst s4  }
0xd: {  	[smem:$0x3FB4] =	sst s5  }
0xe: {  	[smem:$0x3FB5] =	sst s6  }
0xf: {  	[smem:$0x3FB6] =	sst s7  }
0x10: {  	[smem:$0x3FB7] =	sst s8  }
0x11: {  	[smem:$0x3FB8] =	sst s9;
	s0 =	simm.s32 @!p0 $0x0  }
0x12: {  	s1 =	sld [smem:$0x3F9E];
	s0 =	simm.s32 @p0 $0x1  }
0x13: {  	[smem:$0x3FB9] =	sst s0;
	s0 =	simm.s32 @!p1 $0x0  }
0x14: {  	s2 =	sld [smem:$0x3F9D];
	s0 =	simm.s32 @p1 $0x1  }
0x15: {  	[smem:$0x3FBA] =	sst s0;
	s0 =	simm.s32 @!p2 $0x0  }
0x16: {  	s3 =	sld [smem:$0x3FDB];
	s0 =	simm.s32 @p2 $0x1  }
0x17: {  	s4 =	simm.s32 $0x1BF5;
	[smem:$0x3FBC] =	sst s0  }
0x18: {  	s0 =	sld [smem:$0x3F9F];
	_ =	swait.ge [sflag:s4], $0x0  }
0x19: {  	s7 =	sld [smem:$0x3FA0]  }
0x1a: {  	s8 =	sadd.s32 $0xFFFFE003, lr  }
0x1b: {  	s9 =	sadd.s32 $0xFFFFFEF7, lr;
	s5 =	simm.s32 $0xFFFFFFFF;
	p2 =	slt.u32 s8, $0xFFFFF086  }
0x1c: {  	p1 =	slt.u32 s9, $0xF7A;
	s5 =	simm.s32 @!p2 $0x0  }
0x1d: {  	s5 =	simm.s32 @p1 $0x1;
	p0 =	seq.s32 s7, s2  }
0x1e: {  	s7 =	smul.u32 @!p0 $0xF7A, s2;
	p2 =	seq.s32 @!p0 s5, $0x0  }
0x1f: {  	s9 =	smul.u32 $0xF7A, s1;
	s8 =	simm.s32 @!p0 $0x1BF5;
	p2 =	por !p2, p0  }
0x20: {  	[sflag:s8] =	ssyncset.s32 @!p0 $0xFFFFF086;
	s6 =	sadd.s32 @!p0 s3, s7;
	s7 =	simm.s32 @!p0 $0x108  }
0x21: {  	s3 =	sadd.s32 s3, s9;
	s6 =	sadd.s32 @!p0 $0x88, s6;
	s7 =	simm.s32 @p2 $0x1082  }
0x22: {  	[simem:s7], [sflag:s8] =	dma.local @!p0 [hbm:s6], $0xF7A  }
0x23: {  	s9 =	sor.u32 $0xD0000000, s2;
	s6 =	simm.s32 $0x108;
	_ =	swait.ge @!p0 [sflag:s8], $0x0  }
0x24: {  	s3 =	sadd.s32 $0x88, s3;
	s6 =	simm.s32 @!p1 $0x1082;
	[sflag:s4] =	ssyncset.s32 $0xFFFFF086  }
0x25: {  	[simem:s6], [sflag:s4] =	dma.local [hbm:s3], $0xF7A  }
0x26: {  	[smem:$0x3FA0] =	sst s1;
	(tag) =	ssettag s2;
	_ =	strace s9  }
0x27: {  	s1 =	sld [smem:$0x3FB0]  }
0x28: {  	s2 =	sld [smem:$0x3FB1]  }
0x29: {  	s4 =	sld [smem:$0x3FB3]  }
0x2a: {  	p0 =	seq.s32 s5, $0x0;
	s5 =	sld [smem:$0x3FB4]  }
0x2b: {  	s6 =	sld [smem:$0x3FB5]  }
0x2c: {  	s7 =	sld [smem:$0x3FB6]  }
0x2d: {  	s3 =	simm.s32 $0x108;
	s8 =	sld [smem:$0x3FB7]  }
0x2e: {  	s3 =	simm.s32 @!p0 $0x1082;
	s9 =	sld [smem:$0x3FB8]  }
0x2f: {  	lr =	sadd.s32 s0, s3;
	s0 =	sld [smem:$0x3FAF]  }
0x30: {  	s3 =	sld [smem:$0x3FB2]  }
0x31: {  	[smem:$0x3FBB] =	sst s10  }
0x32: {  	s10 =	sld [smem:$0x3FB9];
	_ =	sdelay $0x3  }
0x33: {  	p0 =	seq.s32 s10, $0x1;
	s10 =	sld [smem:$0x3FBB];
	_ =	sdelay $0x3  }
0x34: {  	[smem:$0x3FBB] =	sst s10  }
0x35: {  	s10 =	sld [smem:$0x3FBA];
	_ =	sdelay $0x3  }
0x36: {  	p1 =	seq.s32 s10, $0x1;
	s10 =	sld [smem:$0x3FBB];
	_ =	sdelay $0x3  }
0x37: {  	[smem:$0x3FBB] =	sst s10  }
0x38: {  	s10 =	sld [smem:$0x3FBC]  }
0x39: {  	_ = 	snop;
	(pc) =	sbr.ind lr, $3  }
0x3a: {  	_ = 	snop  }
0x3b: {  	_ = 	snop  }
0x3c: {  	p2 =	seq.s32 s10, $0x1;
	s10 =	sld [smem:$0x3FBB]  }
0x3d: {  	_ =	shalt  }
0x3e: {  	_ =	shalt  }
0x3f: {  	_ =	shalt  }
0x40: {  	_ =	shalt  }
0x41: {  	_ =	shalt  }
0x42: {  	_ =	shalt  }
0x43: {  	_ =	shalt  }
0x44: {  	_ =	shalt  }
0x45: {  	_ =	shalt  }
0x46: {  	_ =	shalt  }
0x47: {  	_ =	shalt  }
0x48: {  	_ =	shalt  }
0x49: {  	_ =	shalt  }
0x4a: {  	_ =	shalt  }
0x4b: {  	_ =	shalt  }
0x4c: {  	_ =	shalt  }
0x4d: {  	_ =	shalt  }
0x4e: {  	_ =	shalt  }
0x4f: {  	_ =	shalt  }
0x50: {  	_ =	shalt  }
0x51: {  	_ =	shalt  }
0x52: {  	_ =	shalt  }
0x53: {  	_ =	shalt  }
0x54: {  	_ =	shalt  }
0x55: {  	_ =	shalt  }
0x56: {  	_ =	shalt  }
0x57: {  	_ =	shalt  }
0x58: {  	_ =	shalt  }
0x59: {  	_ =	shalt  }
0x5a: {  	_ =	shalt  }
0x5b: {  	_ =	shalt  }
0x5c: {  	_ =	shalt  }
0x5d: {  	_ =	shalt  }
0x5e: {  	_ =	shalt  }
0x5f: {  	_ =	shalt  }
0x60: {  	_ =	shalt  }
0x61: {  	_ =	shalt  }
0x62: {  	_ =	shalt  }
0x63: {  	_ =	shalt  }
0x64: {  	_ =	shalt  }
0x65: {  	_ =	shalt  }
0x66: {  	_ =	shalt  }
0x67: {  	_ =	shalt  }
0x68: {  	_ =	shalt  }
0x69: {  	_ =	shalt  }
0x6a: {  	_ =	shalt  }
0x6b: {  	_ =	shalt  }
0x6c: {  	_ =	shalt  }
0x6d: {  	_ =	shalt  }
0x6e: {  	_ =	shalt  }
0x6f: {  	_ =	shalt  }
0x70: {  	_ =	shalt  }
0x71: {  	_ =	shalt  }
0x72: {  	_ =	shalt  }
0x73: {  	_ =	shalt  }
0x74: {  	_ =	shalt  }
0x75: {  	_ =	shalt  }
0x76: {  	_ =	shalt  }
0x77: {  	_ =	shalt  }
0x78: {  	_ =	shalt  }
0x79: {  	_ =	shalt  }
0x7a: {  	_ =	shalt  }
0x7b: {  	_ =	shalt  }
0x7c: {  	_ =	shalt  }
0x7d: {  	_ =	shalt  }
0x7e: {  	_ =	shalt  }
0x7f: {  	_ =	shalt  }
0x80: {  	_ =	shalt  }
0x81: {  	_ =	shalt  }
0x82: {  	_ =	shalt  }
0x83: {  	_ =	shalt  }
0x84: {  	_ =	shalt  }
0x85: {  	_ =	shalt  }
0x86: {  	_ =	shalt  }
0x87: {  	_ =	shalt  }
.Lfunc_end0:
.L_simem_size_0:
called_computation_lowered:
.L_overlay_start_0:
0x88: {  	s2 =	sld [smem:$0x3FD9]  }
0x89: {  	s3 =	sld [smem:$0x3FFE];
	_ =	sdelay $0x1  }
0x8a: {  	s1 =	srdreg.scid  }
0x8b: {  	s0 =	sand.u32 $0x1, s1  }
0x8c: {  	s14 =	sshll.u32 s0, $0xA;
	s2 =	sadd.s32 s3, s2  }
0x8d: {  	s2 =	sadd.s32 s2, s14  }
0x8e: {  	[smem:$0x3FC7] =	sst s2  }
0x8f: {  	_ = 	snop  }
0x90: {  	s2 =	sld [smem:$0x3FD0];
	_ =	sdelay $0x2  }
0x91: {  	s15 =	simm.s32 $0xA;
	s4 =	simm.s32 $0x10  }
0x92: {  	[smem:s4], [sflag:s15] =	dma.local [hbm:s2], $0x1  }
0x93: {  	_ =	swait.eq [sflag:s15], $0x1  }
0x94: {  	[sflag:s15] =	ssyncset.done $0x0  }
0x95: {  	[sflag:s15] =	ssyncadd.s32 $0xFFFFFFFF  }
0x96: {  	s16 =	sld [smem:$0x11];
	(tm) =	ssettm $0x1  }
0x97: {  	s17 =	sld [smem:$0x3FFB];
	_ =	sdelay $0x3  }
0x98: {  	_ =	strace s17  }
0x99: {  	s3 =	sld [smem:$0x3FFC];
	_ =	sdelay $0x3  }
0x9a: {  	_ =	strace s3  }
0x9b: {  	s3 =	sld [smem:$0x3FFD];
	_ =	sdelay $0x3  }
0x9c: {  	_ =	strace s3  }
0x9d: {  	_ =	strace $0x8FFFFFFF  }
0x9e: {  	s18 =	sld [smem:$0x3FDB];
	_ =	sdelay $0x1  }
0x9f: {  	s19 =	simm.s32 $_scs_section_size  }
0xa0: {  	s5 =	simm.s32 $_size__tile_overlayer_lowered;
	s6 =	simm.s32 $_tile_overlayer_lowered  }
0xa1: {  	s22 =	simm.s32 $0x1BFF;
	s21 =	sshll.u32 s6, $0x1;
	s3 =	sadd.s32 s19, s18  }
0xa2: {  	s7 =	simm.s32 $0x0;
	s20 =	sshll.u32 s5, $0x1;
	s5 =	sadd.s32 s21, s3  }
0xa3: {  	[timem:s7], [sflag:s22] =	dma.local [hbm:s5], s20  }
0xa4: {  	_ =	swait.ge [sflag:s22], s20  }
0xa5: {  	s4 =	ssub.s32 $0x0, s20;
	[sflag:s22] =	ssyncset.done $0x0  }
0xa6: {  	[sflag:s22] =	ssyncadd.s32 s4;
	_ =	sdelay $0x1  }
0xa7: {  	s23 =	simm.s32 $0x1B8B  }
0xa8: {  	_ =	swait.ge [sflag:s23], $0x1  }
0xa9: {  	[sflag:s23] =	ssyncset.done $0x0  }
0xaa: {  	s25 =	simm.s32 $0x1B8E;
	s24 =	sld [smem:$0x3FFE];
	[sflag:s23] =	ssyncadd.s32 $0xFFFFFFFF  }
0xab: {  	s26 =	simm.s32 $execute0_lowered;
	[smem:$0x3FD2] =	sst s25  }
0xac: {  	s5 =	sshll.u32 s26, $0x1;
	_ =	strace $0x80000046;
	[dreg:$0x1] =	wrdreg $0xFFFFFFFF  }
0xad: {  	s28 =	simm.s32 $_size_execute0_lowered;
	s3 =	sadd.s32 s3, s5;
	[dreg:$0x0] =	wrdreg $0x0  }
0xae: {  	s5 =	sshll.u32 s28, $0x1;
	[dreg:$0x2] =	wrdreg s3  }
0xaf: {  	[dreg:$0x3] =	wrdreg s5  }
0xb0: {  	[dreg:$0x4] =	wrdreg $0xC0  }
0xb1: {  	_ =	task [dreg:s7], $0x5FFFF  }
0xb2: {  	[dreg:$0x1] =	wrdreg $0xFFFFFFFF  }
0xb3: {  	[dreg:$0x0] =	wrdreg $0x60  }
0xb4: {  	[dreg:$0x2] =	wrdreg s16  }
0xb5: {  	[dreg:$0x3] =	wrdreg s24  }
0xb6: {  	[dreg:$0x4] =	wrdreg $0xC3800  }
0xb7: {  	[dreg:$0x5] =	wrdreg $0x9  }
0xb8: {  	_ =	task.clear_ibuf [dreg:s7], $0x6FFFF;
	_ =	strace $0x90000046  }
0xb9: {  	s29 =	simm.s32 $0x9;
	_ =	strace $0x80000048  }
0xba: {  	_ =	swait.ge [sflag:s29], $0x1  }
0xbb: {  	[sflag:s29] =	ssyncadd.s32 $0xFFFFFFFF  }
0xbc: {  	_ =	strace $0x90000048  }
0xbd: {  	_ =	sfence  }
0xbe: {  	s30 =	sld [smem:$0x0];
	_ =	sdelay $0x2  }
0xbf: {  	s31 =	sshll.u32 s1, $0xD;
	s1 =	sshrl.u32 s1, $0x2  }
0xc0: {  	s3 =	sand.u32 $0x4000, s31;
	s1 =	sadd.s32 s1, s30  }
0xc1: {  	s0 =	sor.u32 s3, s0;
	s1 =	sshll.u32 s1, $0x11  }
0xc2: {  	s0 =	sor.u32 s1, s0  }
0xc3: {  	s0 =	sadd.s32 $0x8F2B, s0  }
0xc4: {  	[sflag:s0] =	ssyncadd.remote.s32 $0x1  }
0xc5: {  	_ =	sfence.sel $0xFFFF  }
0xc6: {  	[dreg:$0x0] =	wrdreg $0xFFFFFFFF;
	(pc) =	sbr.abs _section_cstart, $3  }
0xc7: {  	[dreg:$0x1] =	wrdreg $0xFFFFFFFF  }
0xc8: {  	_ =	task.clear_ibuf [dreg:s7], $0x2FFFF;
	_ =	strace $0x9FFFFFFF  }
0xc9: {  	(tm) =	ssettm $0x7FFFFFFF  }
tec
execute0_lowered:
.L_overlay_start_1:
0x0: {  	(tag) =	ssettag $0x1  }
0x1: {  	s1 =	rddreg [dreg:$0x0]  }
0x2: {  	s0 =	rddreg [dreg:$0x1]  }
0x3: {  	s21 =	rddreg [dreg:$0x2];
	s3 =	simm.s32 $0x0;
	s2 =	srdreg.scid  }
0x4: {  	s24 =	stileid.u32;
	[smem:$0x7FF] =	sst s3;
	s2 =	sand.u32 $0x1, s2  }
0x5: {  	s5 =	sshll.u32 s24, $0xE;
	s12 =	sadd.s32 $0xA00, s0;
	s13 =	sadd.s32 $0x80A00, s0  }
0x6: {  	s23 =	sxor.u32 $0x1, s24;
	s4 =	ssub.s32 $0x2, s2;
	s2 =	sshll.u32 s2, $0x12  }
0x7: {  	s24 =	smul.u32 $0x30, s24;
	s6 =	sshrl.u32 s4, $0x1;
	s2 =	sor.u32 s5, s2  }
0x8: {  	_ =	strace $0x80000047;
	s0 =	ssub.s32 s4, s6;
	s14 =	sor.u32 $0x800, s2  }
0x9: {  	s4 =	sadd.s32 s1, s2;
	s15 =	sor.u32 $0x1000, s2;
	s16 =	sor.u32 $0x1800, s2  }
0xa: {  	s17 =	sor.u32 $0x2000, s2;
	s18 =	sor.u32 $0x2800, s2;
	s19 =	sor.u32 $0x3000, s2  }
0xb: {  	s20 =	sor.u32 $0x3800, s2;
	s22 =	sadd.s32 s12, s2;
	s2 =	sadd.s32 s13, s2  }
0xc: {  	v0 =	vimm.s32 $0xFEDCBA98;
	v1 =	vimm.f32 $2.550000000e+02;
	s5 =	sadd.s32 s1, s14;
	s6 =	sadd.s32 s1, s15;
	s7 =	sadd.s32 s1, s16  }
0xd: {  	v2 =	vimm.s32 $0x76543210;
	v3 =	vimm.s32 $0xBA987654;
	v4 =	vimm.s32 $0x10FEDCBA;
	s8 =	sadd.s32 s1, s17;
	s9 =	sadd.s32 s1, s18;
	[dreg:$0x4] =	wrdreg s22  }
0xe: {  	v5 =	vimm.s32 $0x98765432;
	v6 =	vimm.s32 $0xFEDCBA9;
	v7 =	vimm.s32 $0x87654321;
	s10 =	sadd.s32 s1, s19;
	[dreg:$0x5] =	wrdreg s2;
	s25 =	sadd.s32 s12, s14  }
0xf: {  	(erf) = vrcp.f32 v1;
	v1 =	vunpack.c.l.s4.s8 v2;
	v2 =	vimm.s32 $0x3210FEDC;
	s11 =	sadd.s32 s1, s20;
	s26 =	sadd.s32 s13, s14;
	[dreg:$0x6] =	wrdreg s25  }
0x10: {  	v0 =	vunpack.c.l.s4.s8 v0;
	v3 =	vunpack.c.l.s4.s8 v3;
	v2 =	vunpack.c.l.s4.s8 v2;
	s1 =	smul.u32 $0xC0, s23;
	s14 =	sadd.s32 s12, s15;
	[dreg:$0x7] =	wrdreg s26  }
0x11: {  	v4 =	vunpack.c.l.s4.s8 v4;
	v5 =	vunpack.c.l.s4.s8 v5;
	v6 =	vunpack.c.l.s4.s8 v6;
	s15 =	sadd.s32 s13, s15;
	s22 =	sadd.s32 s12, s16;
	[dreg:$0x8] =	wrdreg s14  }
0x12: {  	v7 =	vunpack.c.l.s4.s8 v7;
	v3 =	vunpack.c.0.s8.s32 v3;
	s23 =	sadd.s32 s13, s16;
	s28 =	sadd.s32 s12, s20;
	[dreg:$0x9] =	wrdreg s15;
	v2 =	vunpack.c.0.s8.s32 v2  }
0x13: {  	v0 =	vunpack.c.0.s8.s32 v0;
	v4 =	vunpack.c.0.s8.s32 v4;
	v5 =	vunpack.c.0.s8.s32 v5;
	s29 =	sadd.s32 s13, s20;
	s31 =	smax.u32 s0, $0x1;
	[dreg:$0xa] =	wrdreg s22  }
0x14: {  	v6 =	vunpack.c.0.s8.s32 v6;
	v7 =	vunpack.c.0.s8.s32 v7;
	s0 =	sadd.s32 s24, s21;
	[dreg:$0xb] =	wrdreg s23;
	s25 =	sadd.s32 s12, s17;
	v2 =	vcombine.low v3, v2  }
0x15: {  	v1 =	vunpack.c.0.s8.s32 v1;
	s2 =	simm.s32 $0x1;
	s26 =	sadd.s32 s13, s17;
	[dreg:$0xc] =	wrdreg s25  }
0x16: {  	v0 =	vand.u32 $0xF, v0;
	s22 =	sadd.s32 s12, s18;
	s23 =	sadd.s32 s13, s18;
	[dreg:$0xd] =	wrdreg s26;
	v3 =	vcombine.low v5, v4;
	v4 =	vcombine.low v7, v6  }
0x17: {  	s25 =	sadd.s32 s12, s19;
	s26 =	sadd.s32 s13, s19;
	s30 =	sshrl.u32 s1, $0x2;
	v0 =	vcombine.low v0, v1;
	v5 =	vimm.f32 $0.0e+00  }
0x18: {  	s1 =	simm.s32 $0x4000;
	s12 =	simm.s32 $0x8000;
	s13 =	simm.s32 $0x0;
	v1 =	vand.u32 $0xF, v2;
	v3 =	vand.u32 $0xF, v3;
	v4 =	vand.u32 $0xF, v4;
	v2 =	vpop (erf)  }
.LBB2_1:
0x19: {  	[tilespmem:s3], [sflag:$0x1] =	stream.linear.gather [hbm4b:s4+s3], $0x4000, $0x38;
	[tilespmem:$0xC3B0] =	vst v63  }
0x1a: {  	_ =	swait.ge [sflag:s2], $0x4000  }
0x1b: {  	[sflag:s2] =	ssyncset.done $0x0  }
0x1c: {  	s14 =	simm.s32 $0x0;
	[sflag:s2] =	ssyncadd.s32 $0xFFFFC000  }
0x1d: {  	v6 =	vld [tilespmem:s14+$0x0];
	_ =	sdelay $0x4  }
0x1e: {  	s15 =	simm.s32 $0x10;
	v10 =	vmul.f32 $2.550000000e+02, v6  }
0x1f: {  	v7 =	vld [tilespmem:s15+$0x0]  }
0x20: {  	v6 =	vtrunc.f32 v10  }
0x21: {  	v11 =	vcvt.f32.s32 v6  }
0x22: {  	v9 =	vimm.f32 $-1.000000000e+09;
	v6 =	vimm.f32 $1.000000000e+09  }
0x23: {  	s14 =	simm.s32 $0x80;
	v9 =	vmax.f32 v9, v10;
	v8 =	vmin.f32 v6, v10;
	v11 =	vcvt.s32.f32 v11  }
.LBB2_2:
0x24: {  	s15 =	sshra.s32 s14, $0x2;
	p0 =	sne.s32 s14, $0xFFC0;
	s14 =	sadd.s32 $0x40, s14;
	v12 =	vmul.f32 $2.550000000e+02, v7  }
.Ltmp0:
0x25: {  	v7 =	vld [tilespmem:s15+$0x0];
	v11 =	vsub.f32 v10, v11;
	(pc) =	sbr.rel @p0 .LBB2_2-.Ltmp0, $3  }
0x26: {  	v13 =	vtrunc.f32 v12;
	v8 =	vmin.f32 v8, v12;
	v9 =	vmax.f32 v9, v12;
	v10 =	vmovc v12  }
0x27: {  	v12 =	vcvt.f32.s32 v13;
	v6 =	vmin.f32 v6, v11;
	_ =	sdelay $0x1  }
0x28: {  	v11 =	vcvt.s32.f32 v12  }
0x29: {  	s14 =	simm.s32 $0x0  }
0x2a: {  	[tilespmem:s14], [sflag:$0x1] =	stream.linear.gather [hbm4b:s5+s14], $0x4000, $0x38;
	[tilespmem:$0xC3B0] =	vst v63  }
0x2b: {  	v12 =	vmul.f32 $2.550000000e+02, v7;
	_ =	swait.ge [sflag:s2], $0x4000  }
0x2c: {  	[sflag:s2] =	ssyncset.done $0x0  }
0x2d: {  	s21 =	simm.s32 $0x0;
	v13 =	vtrunc.f32 v12;
	[sflag:s2] =	ssyncadd.s32 $0xFFFFC000  }
0x2e: {  	v13 =	vcvt.f32.s32 v13;
	v7 =	vld [tilespmem:s21+$0x0];
	_ =	sdelay $0x1  }
0x2f: {  	v13 =	vcvt.s32.f32 v13  }
0x30: {  	v10 =	vsub.f32 v10, v11  }
0x31: {  	v11 =	vsub.f32 v12, v13  }
0x32: {  	s15 =	simm.s32 $0x10;
	v6 =	vmin.f32 v6, v10;
	v7 =	vmul.f32 $2.550000000e+02, v7  }
0x33: {  	v10 =	vmin.f32 v8, v12;
	v8 =	vmin.f32 v6, v11;
	v6 =	vld [tilespmem:s15+$0x0]  }
0x34: {  	v63 =	vtrunc.f32 v7  }
0x35: {  	v13 =	vcvt.f32.s32 v63  }
0x36: {  	v12 =	vmax.f32 v9, v12  }
0x37: {  	s14 =	simm.s32 $0x80;
	v9 =	vmin.f32 v10, v7;
	v10 =	vmax.f32 v12, v7;
	v11 =	vcvt.s32.f32 v13  }
.LBB2_4:
0x38: {  	s15 =	sshra.s32 s14, $0x2;
	p0 =	sne.s32 s14, $0xFFC0;
	s14 =	sadd.s32 $0x40, s14;
	v12 =	vmul.f32 $2.550000000e+02, v6  }
.Ltmp1:
0x39: {  	v6 =	vld [tilespmem:s15+$0x0];
	v11 =	vsub.f32 v7, v11;
	(pc) =	sbr.rel @p0 .LBB2_4-.Ltmp1, $3  }
0x3a: {  	v13 =	vtrunc.f32 v12;
	v9 =	vmin.f32 v9, v12;
	v10 =	vmax.f32 v10, v12;
	v7 =	vmovc v12  }
0x3b: {  	v12 =	vcvt.f32.s32 v13;
	v8 =	vmin.f32 v8, v11;
	_ =	sdelay $0x1  }
0x3c: {  	v11 =	vcvt.s32.f32 v12  }
0x3d: {  	s14 =	simm.s32 $0x0  }
0x3e: {  	[tilespmem:s14], [sflag:$0x1] =	stream.linear.gather [hbm4b:s6+s14], $0x4000, $0x38;
	[tilespmem:$0xC3B0] =	vst v63  }
0x3f: {  	v12 =	vmul.f32 $2.550000000e+02, v6;
	_ =	swait.ge [sflag:s2], $0x4000  }
0x40: {  	[sflag:s2] =	ssyncset.done $0x0  }
0x41: {  	s21 =	simm.s32 $0x0;
	v13 =	vtrunc.f32 v12;
	[sflag:s2] =	ssyncadd.s32 $0xFFFFC000  }
0x42: {  	v13 =	vcvt.f32.s32 v13;
	v6 =	vld [tilespmem:s21+$0x0];
	_ =	sdelay $0x1  }
0x43: {  	v13 =	vcvt.s32.f32 v13  }
0x44: {  	v7 =	vsub.f32 v7, v11  }
0x45: {  	v11 =	vsub.f32 v12, v13  }
0x46: {  	s15 =	simm.s32 $0x10;
	v7 =	vmin.f32 v8, v7;
	v6 =	vmul.f32 $2.550000000e+02, v6  }
0x47: {  	v8 =	vmin.f32 v7, v11;
	v7 =	vld [tilespmem:s15+$0x0]  }
0x48: {  	v63 =	vtrunc.f32 v6  }
0x49: {  	v13 =	vcvt.f32.s32 v63  }
0x4a: {  	v9 =	vmin.f32 v9, v12;
	v10 =	vmax.f32 v10, v12  }
0x4b: {  	s14 =	simm.s32 $0x80;
	v9 =	vmin.f32 v9, v6;
	v10 =	vmax.f32 v10, v6;
	v11 =	vcvt.s32.f32 v13  }
.LBB2_6:
0x4c: {  	s15 =	sshra.s32 s14, $0x2;
	p0 =	sne.s32 s14, $0xFFC0;
	s14 =	sadd.s32 $0x40, s14;
	v12 =	vmul.f32 $2.550000000e+02, v7  }
.Ltmp2:
0x4d: {  	v7 =	vld [tilespmem:s15+$0x0];
	v11 =	vsub.f32 v6, v11;
	(pc) =	sbr.rel @p0 .LBB2_6-.Ltmp2, $3  }
0x4e: {  	v13 =	vtrunc.f32 v12;
	v9 =	vmin.f32 v9, v12;
	v10 =	vmax.f32 v10, v12;
	v6 =	vmovc v12  }
0x4f: {  	v12 =	vcvt.f32.s32 v13;
	v8 =	vmin.f32 v8, v11;
	_ =	sdelay $0x1  }
0x50: {  	v11 =	vcvt.s32.f32 v12  }
0x51: {  	s14 =	simm.s32 $0x0  }
0x52: {  	[tilespmem:s14], [sflag:$0x1] =	stream.linear.gather [hbm4b:s7+s14], $0x4000, $0x38;
	[tilespmem:$0xC3B0] =	vst v63  }
0x53: {  	v12 =	vmul.f32 $2.550000000e+02, v7;
	_ =	swait.ge [sflag:s2], $0x4000  }
0x54: {  	[sflag:s2] =	ssyncset.done $0x0  }
0x55: {  	s21 =	simm.s32 $0x0;
	v13 =	vtrunc.f32 v12;
	[sflag:s2] =	ssyncadd.s32 $0xFFFFC000  }
0x56: {  	v13 =	vcvt.f32.s32 v13;
	v7 =	vld [tilespmem:s21+$0x0];
	_ =	sdelay $0x1  }
0x57: {  	v13 =	vcvt.s32.f32 v13  }
0x58: {  	v6 =	vsub.f32 v6, v11  }
0x59: {  	v11 =	vsub.f32 v12, v13  }
0x5a: {  	s15 =	simm.s32 $0x10;
	v6 =	vmin.f32 v8, v6;
	v7 =	vmul.f32 $2.550000000e+02, v7  }
0x5b: {  	v8 =	vmin.f32 v6, v11;
	v6 =	vld [tilespmem:s15+$0x0]  }
0x5c: {  	v63 =	vtrunc.f32 v7  }
0x5d: {  	v13 =	vcvt.f32.s32 v63  }
0x5e: {  	v9 =	vmin.f32 v9, v12;
	v10 =	vmax.f32 v10, v12  }
0x5f: {  	s14 =	simm.s32 $0x80;
	v9 =	vmin.f32 v9, v7;
	v10 =	vmax.f32 v10, v7;
	v11 =	vcvt.s32.f32 v13  }
.LBB2_8:
0x60: {  	s15 =	sshra.s32 s14, $0x2;
	p0 =	sne.s32 s14, $0xFFC0;
	s14 =	sadd.s32 $0x40, s14;
	v12 =	vmul.f32 $2.550000000e+02, v6  }
.Ltmp3:
0x61: {  	v6 =	vld [tilespmem:s15+$0x0];
	v11 =	vsub.f32 v7, v11;
	(pc) =	sbr.rel @p0 .LBB2_8-.Ltmp3, $3  }
0x62: {  	v13 =	vtrunc.f32 v12;
	v9 =	vmin.f32 v9, v12;
	v10 =	vmax.f32 v10, v12;
	v7 =	vmovc v12  }
0x63: {  	v12 =	vcvt.f32.s32 v13;
	v8 =	vmin.f32 v8, v11;
	_ =	sdelay $0x1  }
0x64: {  	v11 =	vcvt.s32.f32 v12  }
0x65: {  	s14 =	simm.s32 $0x0  }
0x66: {  	[tilespmem:s14], [sflag:$0x1] =	stream.linear.gather [hbm4b:s8+s14], $0x4000, $0x38;
	[tilespmem:$0xC3B0] =	vst v63  }
0x67: {  	v12 =	vmul.f32 $2.550000000e+02, v6;
	_ =	swait.ge [sflag:s2], $0x4000  }
0x68: {  	[sflag:s2] =	ssyncset.done $0x0  }
0x69: {  	s21 =	simm.s32 $0x0;
	v13 =	vtrunc.f32 v12;
	[sflag:s2] =	ssyncadd.s32 $0xFFFFC000  }
0x6a: {  	v13 =	vcvt.f32.s32 v13;
	v6 =	vld [tilespmem:s21+$0x0];
	_ =	sdelay $0x1  }
0x6b: {  	v13 =	vcvt.s32.f32 v13  }
0x6c: {  	v7 =	vsub.f32 v7, v11  }
0x6d: {  	v11 =	vsub.f32 v12, v13  }
0x6e: {  	s15 =	simm.s32 $0x10;
	v7 =	vmin.f32 v8, v7;
	v6 =	vmul.f32 $2.550000000e+02, v6  }
0x6f: {  	v8 =	vmin.f32 v7, v11;
	v7 =	vld [tilespmem:s15+$0x0]  }
0x70: {  	v63 =	vtrunc.f32 v6  }
0x71: {  	v13 =	vcvt.f32.s32 v63  }
0x72: {  	v9 =	vmin.f32 v9, v12;
	v10 =	vmax.f32 v10, v12  }
0x73: {  	s14 =	simm.s32 $0x80;
	v9 =	vmin.f32 v9, v6;
	v10 =	vmax.f32 v10, v6;
	v11 =	vcvt.s32.f32 v13  }
.LBB2_10:
0x74: {  	s15 =	sshra.s32 s14, $0x2;
	p0 =	sne.s32 s14, $0xFFC0;
	s14 =	sadd.s32 $0x40, s14;
	v12 =	vmul.f32 $2.550000000e+02, v7  }
.Ltmp4:
0x75: {  	v7 =	vld [tilespmem:s15+$0x0];
	v11 =	vsub.f32 v6, v11;
	(pc) =	sbr.rel @p0 .LBB2_10-.Ltmp4, $3  }
0x76: {  	v13 =	vtrunc.f32 v12;
	v9 =	vmin.f32 v9, v12;
	v10 =	vmax.f32 v10, v12;
	v6 =	vmovc v12  }
0x77: {  	v12 =	vcvt.f32.s32 v13;
	v8 =	vmin.f32 v8, v11;
	_ =	sdelay $0x1  }
0x78: {  	v11 =	vcvt.s32.f32 v12  }
0x79: {  	s14 =	simm.s32 $0x0  }
0x7a: {  	[tilespmem:s14], [sflag:$0x1] =	stream.linear.gather [hbm4b:s9+s14], $0x4000, $0x38;
	[tilespmem:$0xC3B0] =	vst v63  }
0x7b: {  	v12 =	vmul.f32 $2.550000000e+02, v7;
	_ =	swait.ge [sflag:s2], $0x4000  }
0x7c: {  	[sflag:s2] =	ssyncset.done $0x0  }
0x7d: {  	s21 =	simm.s32 $0x0;
	v13 =	vtrunc.f32 v12;
	[sflag:s2] =	ssyncadd.s32 $0xFFFFC000  }
0x7e: {  	v13 =	vcvt.f32.s32 v13;
	v7 =	vld [tilespmem:s21+$0x0];
	_ =	sdelay $0x1  }
0x7f: {  	v13 =	vcvt.s32.f32 v13  }
0x80: {  	v6 =	vsub.f32 v6, v11  }
0x81: {  	v11 =	vsub.f32 v12, v13  }
0x82: {  	s15 =	simm.s32 $0x10;
	v6 =	vmin.f32 v8, v6;
	v7 =	vmul.f32 $2.550000000e+02, v7  }
0x83: {  	v8 =	vmin.f32 v6, v11;
	v6 =	vld [tilespmem:s15+$0x0]  }
0x84: {  	v63 =	vtrunc.f32 v7  }
0x85: {  	v13 =	vcvt.f32.s32 v63  }
0x86: {  	v9 =	vmin.f32 v9, v12;
	v10 =	vmax.f32 v10, v12  }
0x87: {  	s14 =	simm.s32 $0x80;
	v9 =	vmin.f32 v9, v7;
	v10 =	vmax.f32 v10, v7;
	v11 =	vcvt.s32.f32 v13  }
.LBB2_12:
0x88: {  	s15 =	sshra.s32 s14, $0x2;
	p0 =	sne.s32 s14, $0xFFC0;
	s14 =	sadd.s32 $0x40, s14;
	v12 =	vmul.f32 $2.550000000e+02, v6  }
.Ltmp5:
0x89: {  	v6 =	vld [tilespmem:s15+$0x0];
	v11 =	vsub.f32 v7, v11;
	(pc) =	sbr.rel @p0 .LBB2_12-.Ltmp5, $3  }
0x8a: {  	v13 =	vtrunc.f32 v12;
	v9 =	vmin.f32 v9, v12;
	v10 =	vmax.f32 v10, v12;
	v7 =	vmovc v12  }
0x8b: {  	v12 =	vcvt.f32.s32 v13;
	v8 =	vmin.f32 v8, v11;
	_ =	sdelay $0x1  }
0x8c: {  	v11 =	vcvt.s32.f32 v12  }
0x8d: {  	s14 =	simm.s32 $0x0  }
0x8e: {  	[tilespmem:s14], [sflag:$0x1] =	stream.linear.gather [hbm4b:s10+s14], $0x4000, $0x38;
	[tilespmem:$0xC3B0] =	vst v63  }
0x8f: {  	_ =	swait.ge [sflag:s2], $0x4000  }
0x90: {  	[sflag:s2] =	ssyncset.done $0x0  }
0x91: {  	s21 =	simm.s32 $0x0;
	[sflag:s2] =	ssyncadd.s32 $0xFFFFC000  }
0x92: {  	v12 =	vmul.f32 $2.550000000e+02, v6;
	v6 =	vld [tilespmem:s21+$0x0];
	_ =	sdelay $0x1  }
0x93: {  	v13 =	vtrunc.f32 v12  }
0x94: {  	v13 =	vcvt.f32.s32 v13  }
0x95: {  	v7 =	vsub.f32 v7, v11  }
0x96: {  	s15 =	simm.s32 $0x10;
	v13 =	vcvt.s32.f32 v13;
	v6 =	vmul.f32 $2.550000000e+02, v6  }
0x97: {  	v7 =	vmin.f32 v8, v7;
	v8 =	vmin.f32 v9, v12;
	v9 =	vmax.f32 v10, v12;
	v10 =	vld [tilespmem:s15+$0x0]  }
0x98: {  	v11 =	vsub.f32 v12, v13;
	v63 =	vtrunc.f32 v6  }
0x99: {  	v13 =	vcvt.f32.s32 v63  }
0x9a: {  	v7 =	vmin.f32 v7, v11  }
0x9b: {  	s14 =	simm.s32 $0x80;
	v8 =	vmin.f32 v8, v6;
	v9 =	vmax.f32 v9, v6;
	v11 =	vcvt.s32.f32 v13  }
.LBB2_14:
0x9c: {  	s15 =	sshra.s32 s14, $0x2;
	p0 =	sne.s32 s14, $0xFFC0;
	s14 =	sadd.s32 $0x40, s14;
	v12 =	vmul.f32 $2.550000000e+02, v10  }
.Ltmp6:
0x9d: {  	v10 =	vld [tilespmem:s15+$0x0];
	v11 =	vsub.f32 v6, v11;
	(pc) =	sbr.rel @p0 .LBB2_14-.Ltmp6, $3  }
0x9e: {  	v13 =	vtrunc.f32 v12;
	v8 =	vmin.f32 v8, v12;
	v9 =	vmax.f32 v9, v12;
	v6 =	vmovc v12  }
0x9f: {  	v12 =	vcvt.f32.s32 v13;
	v7 =	vmin.f32 v7, v11;
	_ =	sdelay $0x1  }
0xa0: {  	v11 =	vcvt.s32.f32 v12  }
0xa1: {  	s14 =	simm.s32 $0x0  }
0xa2: {  	[tilespmem:s14], [sflag:$0x1] =	stream.linear.gather [hbm4b:s11+s14], $0x4000, $0x38;
	[tilespmem:$0xC3B0] =	vst v63  }
0xa3: {  	_ =	swait.ge [sflag:s2], $0x4000  }
0xa4: {  	[sflag:s2] =	ssyncset.done $0x0  }
0xa5: {  	s21 =	simm.s32 $0x0;
	v12 =	vmul.f32 $2.550000000e+02, v10;
	[sflag:s2] =	ssyncadd.s32 $0xFFFFC000  }
0xa6: {  	v10 =	vld [tilespmem:s21+$0x0]  }
0xa7: {  	v13 =	vtrunc.f32 v12  }
0xa8: {  	v13 =	vcvt.f32.s32 v13  }
0xa9: {  	v6 =	vsub.f32 v6, v11  }
0xaa: {  	v13 =	vcvt.s32.f32 v13  }
0xab: {  	s15 =	simm.s32 $0x10;
	v6 =	vmin.f32 v7, v6;
	v10 =	vmul.f32 $2.550000000e+02, v10  }
0xac: {  	v7 =	vmin.f32 v8, v12;
	v11 =	vsub.f32 v12, v13;
	v12 =	vmax.f32 v9, v12;
	v9 =	vld [tilespmem:s15+$0x0]  }
0xad: {  	v63 =	vtrunc.f32 v10  }
0xae: {  	v13 =	vcvt.f32.s32 v63  }
0xaf: {  	v6 =	vmin.f32 v6, v11  }
0xb0: {  	s14 =	simm.s32 $0x80;
	v8 =	vmin.f32 v7, v10;
	v7 =	vmax.f32 v12, v10;
	v11 =	vcvt.s32.f32 v13  }
.LBB2_16:
0xb1: {  	s15 =	sshra.s32 s14, $0x2;
	p0 =	sne.s32 s14, $0xFFC0;
	s14 =	sadd.s32 $0x40, s14;
	v12 =	vmul.f32 $2.550000000e+02, v9  }
.Ltmp7:
0xb2: {  	v9 =	vld [tilespmem:s15+$0x0];
	v11 =	vsub.f32 v10, v11;
	(pc) =	sbr.rel @p0 .LBB2_16-.Ltmp7, $3  }
0xb3: {  	v13 =	vtrunc.f32 v12;
	v8 =	vmin.f32 v8, v12;
	v7 =	vmax.f32 v7, v12;
	v10 =	vmovc v12  }
0xb4: {  	v12 =	vcvt.f32.s32 v13;
	v6 =	vmin.f32 v6, v11;
	_ =	sdelay $0x1  }
0xb5: {  	v11 =	vcvt.s32.f32 v12  }
0xb6: {  	v9 =	vmul.f32 $2.550000000e+02, v9;
	_ =	sdelay $0x1  }
0xb7: {  	v12 =	vtrunc.f32 v9  }
0xb8: {  	v12 =	vcvt.f32.s32 v12;
	_ =	sdelay $0x1  }
0xb9: {  	v12 =	vcvt.s32.f32 v12  }
0xba: {  	v10 =	vsub.f32 v10, v11  }
0xbb: {  	v11 =	vsub.f32 v9, v12  }
0xbc: {  	v8 =	vmin.f32 v8, v9;
	v6 =	vmin.f32 v6, v10  }
0xbd: {  	[tilespmem:$0xC010] =	vst v8;
	v6 =	vmin.f32 v6, v11  }
0xbe: {  	[tilespmem:$0xC000] =	vst v6;
	v6 =	vmax.f32 v7, v9  }
0xbf: {  	s14 =	simm.s32 $0xC000;
	[tilespmem:$0xC020] =	vst v6  }
0xc0: {  	[spmem:s0] =	stream.linear.scatter [tilespmem:s14], [sflag:$0x1], $0x30, $0x38;
	[tilespmem:$0xC3B0] =	vst v63  }
0xc1: {  	_ =	swait.ge [sflag:s2], $0x30  }
0xc2: {  	[sflag:s2] =	ssyncset.done $0x0  }
0xc3: {  	[sflag:s2] =	ssyncadd.s32 $0xFFFFFFD0  }
0xc4: {  	[bflag:$0x0] =	sbarrier.arrive $0xFFFF  }
0xc5: {  	s15 =	simm.s32 $0xC080;
	s20 =	rddreg [dreg:$0x2]  }
0xc6: {  	[tilespmem:s15], [sflag:$0x1] =	stream.linear.gather [spmem:s20], $0x300, $0x38;
	[tilespmem:$0xC3B0] =	vst v63  }
0xc7: {  	_ =	swait.ge [sflag:s2], $0x300  }
0xc8: {  	[sflag:s2] =	ssyncset.done $0x0  }
0xc9: {  	[sflag:s2] =	ssyncadd.s32 $0xFFFFFD00  }
0xca: {  	v6 =	vld [tilespmem:s24+$0xC090]  }
0xcb: {  	v7 =	vld [tilespmem:s30+$0xC090]  }
0xcc: {  	v8 =	vld [tilespmem:s24+$0xC0A0]  }
0xcd: {  	v9 =	vld [tilespmem:s30+$0xC0A0];
	_ =	sdelay $0x3  }
0xce: {  	v10 =	vld [tilespmem:s24+$0xC080]  }
0xcf: {  	v11 =	vld [tilespmem:s30+$0xC080];
	v6 =	vmin.f32 v6, v7;
	v7 =	vmax.f32 v8, v9  }
0xd0: {  	v8 =	vperm.xlane v6, v0;
	v9 =	vperm.xlane v7, v0;
	_ =	sdelay $0x1  }
0xd1: {  	v6 =	vmin.f32 v6, v8;
	v7 =	vmax.f32 v7, v9  }
0xd2: {  	v8 =	vperm.xlane v6, v1;
	v9 =	vperm.xlane v7, v1  }
0xd3: {  	v10 =	vmin.f32 v10, v11  }
0xd4: {  	v11 =	vperm.xlane v10, v0;
	v6 =	vmin.f32 v6, v8;
	v7 =	vmax.f32 v7, v9  }
0xd5: {  	v8 =	vperm.xlane v6, v3;
	v9 =	vperm.xlane v7, v3  }
0xd6: {  	v10 =	vmin.f32 v10, v11  }
0xd7: {  	v11 =	vperm.xlane v10, v1;
	v6 =	vmin.f32 v6, v8;
	v7 =	vmax.f32 v7, v9  }
0xd8: {  	v8 =	vperm.xlane v6, v4;
	v9 =	vperm.xlane v7, v4  }
0xd9: {  	v10 =	vmin.f32 v10, v11  }
0xda: {  	v11 =	vperm.xlane v10, v3;
	v6 =	vmin.f32 v6, v8;
	v7 =	vmax.f32 v7, v9  }
0xdb: {  	s21 =	simm.s32 $0x0;
	v6 =	vmul.f32 v6, v2;
	v7 =	vmul.f32 v7, v2  }
0xdc: {  	[tilespmem:s21], [sflag:$0x1] =	stream.linear.gather [hbm4b:s4+s21], $0x4000, $0x38;
	[tilespmem:$0xC3B0] =	vst v63  }
0xdd: {  	_ =	swait.ge [sflag:s2], $0x4000;
	v8 =	vmin.f32 v10, v11;
	v6 =	vmul.f32 $2.560000000e+02, v6;
	v7 =	vmul.f32 $2.560000000e+02, v7  }
0xde: {  	[sflag:s2] =	ssyncset.done $0x0;
	v9 =	vperm.xlane v8, v4  }
0xdf: {  	s14 =	simm.s32 $0x0;
	[sflag:s2] =	ssyncadd.s32 $0xFFFFC000;
	v6 =	vtrunc.f32 v6;
	v7 =	vtrunc.f32 v7  }
0xe0: {  	v10 =	vld [tilespmem:s14+$0x0];
	v6 =	vcvt.f32.s32 v6;
	v7 =	vcvt.f32.s32 v7  }
0xe1: {  	v8 =	vmin.f32 v8, v9  }
0xe2: {  	vm0 =	veq.f32 v8, $0.0e+00;
	vm1 =	vne.s32 v6, v7  }
0xe3: {  	vm0 =	vmand vm0, vm1  }
0xe4: {  	s15 =	simm.s32 $0x10;
	v6 =	vsel vm0, $0x40000000, v5  }
0xe5: {  	v7 =	vld [tilespmem:s15+$0x0];
	v8 =	vmul.f32 v10, v6;
	_ =	sdelay $0x1  }
0xe6: {  	v8 =	vadd.f32 $-1.000000000e+00, v8  }
0xe7: {  	s16 =	simm.s32 $0x20  }
0xe8: {  	v9 =	vld [tilespmem:s16+$0x0];
	v8 =	vsub.f32 $0.0e+00, v8  }
0xe9: {  	v7 =	vmul.f32 v7, v6  }
0xea: {  	v8 =	vmul.f32 $1.442695020e+00, v8  }
0xeb: {  	s17 =	simm.s32 $0x30;
	v7 =	vadd.f32 $-1.000000000e+00, v7  }
0xec: {  	(erf) = vpow2.f32 v8;
	v8 =	vld [tilespmem:s17+$0x0]  }
0xed: {  	v9 =	vmul.f32 v9, v6;
	v7 =	vsub.f32 $0.0e+00, v7;
	_ =	sdelay $0x1  }
0xee: {  	v9 =	vadd.f32 $-1.000000000e+00, v9;
	v7 =	vmul.f32 $1.442695020e+00, v7;
	_ =	sdelay $0x1  }
0xef: {  	v9 =	vsub.f32 $0.0e+00, v9;
	(erf) = vpow2.f32 v7;
	v8 =	vmul.f32 v8, v6;
	_ =	sdelay $0x1  }
0xf0: {  	v7 =	vmul.f32 $1.442695020e+00, v9;
	_ =	sdelay $0x1  }
0xf1: {  	s18 =	simm.s32 $0x40;
	(erf) = vpow2.f32 v7;
	v7 =	vadd.f32 $-1.000000000e+00, v8;
	v8 =	vpop (erf)  }
0xf2: {  	v9 =	vld [tilespmem:s18+$0x0];
	v8 =	vadd.f32 $1.000000000e+00, v8;
	_ =	sdelay $0x1  }
0xf3: {  	v7 =	vsub.f32 $0.0e+00, v7;
	(erf) = vrcp.f32 v8;
	_ =	sdelay $0x1  }
0xf4: {  	v10 =	vpop (erf);
	v7 =	vmul.f32 $1.442695020e+00, v7  }
0xf5: {  	s19 =	simm.s32 $0x50;
	v9 =	vmul.f32 v9, v6;
	v8 =	vadd.f32 $1.000000000e+00, v10  }
0xf6: {  	(erf) = vpow2.f32 v7;
	v7 =	vld [tilespmem:s19+$0x0]  }
0xf7: {  	v9 =	vadd.f32 $-1.000000000e+00, v9;
	(erf) = vrcp.f32 v8;
	_ =	sdelay $0x1  }
0xf8: {  	v9 =	vsub.f32 $0.0e+00, v9  }
0xf9: {  	s20 =	simm.s32 $0x180;
	v8 =	vpop (erf)  }
.LBB2_18:
0xfa: {  	s21 =	sshra.s32 s20, $0x2;
	v10 =	vmul.f32 v7, v6;
	v9 =	vmul.f32 $1.442695020e+00, v9;
	v11 =	vpop (erf);
	p0 =	sne.s32 s20, $0xFFC0  }
.Ltmp8:
0xfb: {  	s20 =	sadd.s32 $0x40, s20;
	v8 =	vadd.f32 $1.000000000e+00, v8;
	v7 =	vld [tilespmem:s21+$0x0];
	[tilespmem:s14+$0x4000] =	vst v11;
	v11 =	vsub.f32 $1.000000000e+00, v11;
	(pc) =	sbr.rel @p0 .LBB2_18-.Ltmp8, $4  }
0xfc: {  	v10 =	vadd.f32 $-1.000000000e+00, v10;
	(erf) = vpow2.f32 v9  }
0xfd: {  	(erf) = vrcp.f32 v8;
	[tilespmem:s14+$0x8000] =	vst v11;
	s14 =	smov.u32 s15;
	s15 =	smov.u32 s16;
	s16 =	smov.u32 s17  }
0xfe: {  	s17 =	smov.u32 s18;
	s18 =	smov.u32 s19;
	s19 =	smov.u32 s21;
	v9 =	vsub.f32 $0.0e+00, v10  }
0xff: {  	v8 =	vpop (erf)  }
0x100: {  	v7 =	vmul.f32 v7, v6;
	_ =	sdelay $0x1  }
0x101: {  	v7 =	vadd.f32 $-1.000000000e+00, v7;
	_ =	sdelay $0x1  }
0x102: {  	v9 =	vmul.f32 $1.442695020e+00, v9;
	v7 =	vsub.f32 $0.0e+00, v7  }
0x103: {  	v8 =	vadd.f32 $1.000000000e+00, v8  }
0x104: {  	(erf) = vpow2.f32 v9;
	v7 =	vmul.f32 $1.442695020e+00, v7  }
0x105: {  	(erf) = vrcp.f32 v8  }
0x106: {  	(erf) = vpow2.f32 v7;
	_ =	sdelay $0x1  }
0x107: {  	v7 =	vpop (erf)  }
0x108: {  	v8 =	vpop (erf)  }
0x109: {  	v8 =	vadd.f32 $1.000000000e+00, v8;
	_ =	sdelay $0x1  }
0x10a: {  	v9 =	vpop (erf)  }
0x10b: {  	v10 =	vpop (erf)  }
0x10c: {  	(erf) = vrcp.f32 v8;
	v10 =	vadd.f32 $1.000000000e+00, v10;
	v8 =	vpop (erf)  }
0x10d: {  	v11 =	vpop (erf)  }
0x10e: {  	(erf) = vrcp.f32 v10;
	v10 =	vadd.f32 $1.000000000e+00, v11;
	_ =	sdelay $0x1  }
0x10f: {  	(erf) = vrcp.f32 v10;
	v10 =	vsub.f32 $1.000000000e+00, v7  }
0x110: {  	[tilespmem:s14+$0x4000] =	vst v7  }
0x111: {  	v7 =	vsub.f32 $1.000000000e+00, v9;
	[tilespmem:s14+$0x8000] =	vst v10  }
0x112: {  	[tilespmem:s15+$0x4000] =	vst v9  }
0x113: {  	[tilespmem:s15+$0x8000] =	vst v7;
	v7 =	vsub.f32 $1.000000000e+00, v8  }
0x114: {  	[tilespmem:s16+$0x4000] =	vst v8;
	v8 =	vpop (erf)  }
0x115: {  	[tilespmem:s16+$0x8000] =	vst v7;
	v7 =	vsub.f32 $1.000000000e+00, v8  }
0x116: {  	[tilespmem:s17+$0x4000] =	vst v8;
	v8 =	vpop (erf)  }
0x117: {  	[tilespmem:s17+$0x8000] =	vst v7;
	v7 =	vsub.f32 $1.000000000e+00, v8  }
0x118: {  	[tilespmem:s18+$0x4000] =	vst v8;
	v8 =	vpop (erf)  }
0x119: {  	[tilespmem:s18+$0x8000] =	vst v7;
	v7 =	vsub.f32 $1.000000000e+00, v8  }
0x11a: {  	[tilespmem:s19+$0x4000] =	vst v8  }
0x11b: {  	s20 =	rddreg [dreg:$0x4];
	[tilespmem:s19+$0x8000] =	vst v7;
	s19 =	simm.s32 $0x0  }
0x11c: {  	[hbm4b:s20+s19] =	stream.linear.scatter [tilespmem:s1], [sflag:$0x1], $0x4000, $0x38;
	[tilespmem:$0xC3B0] =	vst v63  }
0x11d: {  	_ =	swait.ge [sflag:s2], $0x4000  }
0x11e: {  	[sflag:s2] =	ssyncset.done $0x0  }
0x11f: {  	s21 =	rddreg [dreg:$0x5];
	[sflag:s2] =	ssyncadd.s32 $0xFFFFC000  }
0x120: {  	[hbm4b:s21+s19] =	stream.linear.scatter [tilespmem:s12], [sflag:$0x1], $0x4000, $0x38;
	[tilespmem:$0xC3B0] =	vst v63  }
0x121: {  	_ =	swait.ge [sflag:s2], $0x4000  }
0x122: {  	[sflag:s2] =	ssyncset.done $0x0  }
0x123: {  	[sflag:s2] =	ssyncadd.s32 $0xFFFFC000  }
0x124: {  	[tilespmem:s19], [sflag:$0x1] =	stream.linear.gather [hbm4b:s5+s19], $0x4000, $0x38;
	[tilespmem:$0xC3B0] =	vst v63  }
0x125: {  	_ =	swait.ge [sflag:s2], $0x4000  }
0x126: {  	[sflag:s2] =	ssyncset.done $0x0  }
0x127: {  	s16 =	simm.s32 $0x0;
	[sflag:s2] =	ssyncadd.s32 $0xFFFFC000  }
0x128: {  	v7 =	vld [tilespmem:s16+$0x0]  }
0x129: {  	s15 =	simm.s32 $0x10  }
0x12a: {  	v8 =	vld [tilespmem:s15+$0x0];
	_ =	sdelay $0x2  }
0x12b: {  	v7 =	vmul.f32 v7, v6;
	_ =	sdelay $0x1  }
0x12c: {  	v8 =	vmul.f32 v8, v6;
	v7 =	vadd.f32 $-1.000000000e+00, v7  }
0x12d: {  	s14 =	simm.s32 $0x20  }
0x12e: {  	v9 =	vld [tilespmem:s14+$0x0];
	v8 =	vadd.f32 $-1.000000000e+00, v8;
	v7 =	vsub.f32 $0.0e+00, v7;
	_ =	sdelay $0x1  }
0x12f: {  	v8 =	vsub.f32 $0.0e+00, v8;
	v7 =	vmul.f32 $1.442695020e+00, v7  }
0x130: {  	s17 =	simm.s32 $0x30  }
0x131: {  	(erf) = vpow2.f32 v7;
	v7 =	vmul.f32 $1.442695020e+00, v8;
	v8 =	vld [tilespmem:s17+$0x0]  }
0x132: {  	v9 =	vmul.f32 v9, v6;
	_ =	sdelay $0x1  }
0x133: {  	v9 =	vadd.f32 $-1.000000000e+00, v9;
	_ =	sdelay $0x1  }
0x134: {  	v9 =	vsub.f32 $0.0e+00, v9;
	(erf) = vpow2.f32 v7;
	v8 =	vmul.f32 v8, v6;
	_ =	sdelay $0x1  }
0x135: {  	v7 =	vmul.f32 $1.442695020e+00, v9;
	_ =	sdelay $0x1  }
0x136: {  	s18 =	simm.s32 $0x40;
	(erf) = vpow2.f32 v7;
	v7 =	vadd.f32 $-1.000000000e+00, v8;
	v8 =	vpop (erf)  }
0x137: {  	v9 =	vld [tilespmem:s18+$0x0];
	v8 =	vadd.f32 $1.000000000e+00, v8;
	_ =	sdelay $0x1  }
0x138: {  	v7 =	vsub.f32 $0.0e+00, v7;
	(erf) = vrcp.f32 v8;
	_ =	sdelay $0x1  }
0x139: {  	v10 =	vpop (erf);
	v7 =	vmul.f32 $1.442695020e+00, v7  }
0x13a: {  	s19 =	simm.s32 $0x50;
	v9 =	vmul.f32 v9, v6;
	v8 =	vadd.f32 $1.000000000e+00, v10  }
0x13b: {  	(erf) = vpow2.f32 v7;
	v7 =	vld [tilespmem:s19+$0x0]  }
0x13c: {  	v9 =	vadd.f32 $-1.000000000e+00, v9;
	(erf) = vrcp.f32 v8;
	_ =	sdelay $0x1  }
0x13d: {  	v9 =	vsub.f32 $0.0e+00, v9  }
0x13e: {  	s20 =	simm.s32 $0x180;
	v8 =	vpop (erf)  }
.LBB2_20:
0x13f: {  	s21 =	sshra.s32 s20, $0x2;
	v10 =	vmul.f32 v7, v6;
	v9 =	vmul.f32 $1.442695020e+00, v9;
	v11 =	vpop (erf);
	p0 =	sne.s32 s20, $0xFFC0  }
.Ltmp9:
0x140: {  	s20 =	sadd.s32 $0x40, s20;
	v8 =	vadd.f32 $1.000000000e+00, v8;
	v7 =	vld [tilespmem:s21+$0x0];
	[tilespmem:s16+$0x4000] =	vst v11;
	v11 =	vsub.f32 $1.000000000e+00, v11;
	(pc) =	sbr.rel @p0 .LBB2_20-.Ltmp9, $4  }
0x141: {  	v10 =	vadd.f32 $-1.000000000e+00, v10;
	(erf) = vpow2.f32 v9  }
0x142: {  	(erf) = vrcp.f32 v8;
	[tilespmem:s16+$0x8000] =	vst v11;
	s16 =	smov.u32 s15;
	s15 =	smov.u32 s14;
	s14 =	smov.u32 s17  }
0x143: {  	s17 =	smov.u32 s18;
	s18 =	smov.u32 s19;
	s19 =	smov.u32 s21;
	v9 =	vsub.f32 $0.0e+00, v10  }
0x144: {  	v8 =	vpop (erf)  }
0x145: {  	v7 =	vmul.f32 v7, v6;
	_ =	sdelay $0x1  }
0x146: {  	v7 =	vadd.f32 $-1.000000000e+00, v7;
	_ =	sdelay $0x1  }
0x147: {  	v9 =	vmul.f32 $1.442695020e+00, v9;
	v7 =	vsub.f32 $0.0e+00, v7  }
0x148: {  	v8 =	vadd.f32 $1.000000000e+00, v8  }
0x149: {  	(erf) = vpow2.f32 v9;
	v7 =	vmul.f32 $1.442695020e+00, v7  }
0x14a: {  	(erf) = vrcp.f32 v8  }
0x14b: {  	(erf) = vpow2.f32 v7;
	_ =	sdelay $0x1  }
0x14c: {  	v7 =	vpop (erf)  }
0x14d: {  	v8 =	vpop (erf)  }
0x14e: {  	v8 =	vadd.f32 $1.000000000e+00, v8;
	_ =	sdelay $0x1  }
0x14f: {  	v9 =	vpop (erf)  }
0x150: {  	v10 =	vpop (erf)  }
0x151: {  	(erf) = vrcp.f32 v8;
	v10 =	vadd.f32 $1.000000000e+00, v10;
	v8 =	vpop (erf)  }
0x152: {  	v11 =	vpop (erf)  }
0x153: {  	(erf) = vrcp.f32 v10;
	v10 =	vadd.f32 $1.000000000e+00, v11;
	_ =	sdelay $0x1  }
0x154: {  	(erf) = vrcp.f32 v10;
	v10 =	vsub.f32 $1.000000000e+00, v7  }
0x155: {  	[tilespmem:s16+$0x4000] =	vst v7  }
0x156: {  	v7 =	vsub.f32 $1.000000000e+00, v9;
	[tilespmem:s16+$0x8000] =	vst v10  }
0x157: {  	[tilespmem:s15+$0x4000] =	vst v9  }
0x158: {  	[tilespmem:s15+$0x8000] =	vst v7;
	v7 =	vsub.f32 $1.000000000e+00, v8  }
0x159: {  	[tilespmem:s14+$0x4000] =	vst v8;
	v8 =	vpop (erf)  }
0x15a: {  	[tilespmem:s14+$0x8000] =	vst v7;
	v7 =	vsub.f32 $1.000000000e+00, v8  }
0x15b: {  	[tilespmem:s17+$0x4000] =	vst v8;
	v8 =	vpop (erf)  }
0x15c: {  	[tilespmem:s17+$0x8000] =	vst v7;
	v7 =	vsub.f32 $1.000000000e+00, v8  }
0x15d: {  	[tilespmem:s18+$0x4000] =	vst v8;
	v8 =	vpop (erf)  }
0x15e: {  	[tilespmem:s18+$0x8000] =	vst v7;
	v7 =	vsub.f32 $1.000000000e+00, v8  }
0x15f: {  	[tilespmem:s19+$0x4000] =	vst v8  }
0x160: {  	s20 =	rddreg [dreg:$0x6];
	[tilespmem:s19+$0x8000] =	vst v7;
	s19 =	simm.s32 $0x0  }
0x161: {  	[hbm4b:s20+s19] =	stream.linear.scatter [tilespmem:s1], [sflag:$0x1], $0x4000, $0x38;
	[tilespmem:$0xC3B0] =	vst v63  }
0x162: {  	_ =	swait.ge [sflag:s2], $0x4000  }
0x163: {  	[sflag:s2] =	ssyncset.done $0x0  }
0x164: {  	s21 =	rddreg [dreg:$0x7];
	[sflag:s2] =	ssyncadd.s32 $0xFFFFC000  }
0x165: {  	[hbm4b:s21+s19] =	stream.linear.scatter [tilespmem:s12], [sflag:$0x1], $0x4000, $0x38;
	[tilespmem:$0xC3B0] =	vst v63  }
0x166: {  	_ =	swait.ge [sflag:s2], $0x4000  }
0x167: {  	[sflag:s2] =	ssyncset.done $0x0  }
0x168: {  	[sflag:s2] =	ssyncadd.s32 $0xFFFFC000  }
0x169: {  	[tilespmem:s19], [sflag:$0x1] =	stream.linear.gather [hbm4b:s6+s19], $0x4000, $0x38;
	[tilespmem:$0xC3B0] =	vst v63  }
0x16a: {  	_ =	swait.ge [sflag:s2], $0x4000  }
0x16b: {  	[sflag:s2] =	ssyncset.done $0x0  }
0x16c: {  	s16 =	simm.s32 $0x0;
	[sflag:s2] =	ssyncadd.s32 $0xFFFFC000  }
0x16d: {  	v7 =	vld [tilespmem:s16+$0x0]  }
0x16e: {  	s15 =	simm.s32 $0x10  }
0x16f: {  	v8 =	vld [tilespmem:s15+$0x0];
	_ =	sdelay $0x2  }
0x170: {  	v7 =	vmul.f32 v7, v6;
	_ =	sdelay $0x1  }
0x171: {  	v8 =	vmul.f32 v8, v6;
	v7 =	vadd.f32 $-1.000000000e+00, v7  }
0x172: {  	s14 =	simm.s32 $0x20  }
0x173: {  	v9 =	vld [tilespmem:s14+$0x0];
	v8 =	vadd.f32 $-1.000000000e+00, v8;
	v7 =	vsub.f32 $0.0e+00, v7;
	_ =	sdelay $0x1  }
0x174: {  	v8 =	vsub.f32 $0.0e+00, v8;
	v7 =	vmul.f32 $1.442695020e+00, v7  }
0x175: {  	s17 =	simm.s32 $0x30  }
0x176: {  	(erf) = vpow2.f32 v7;
	v7 =	vmul.f32 $1.442695020e+00, v8;
	v8 =	vld [tilespmem:s17+$0x0]  }
0x177: {  	v9 =	vmul.f32 v9, v6;
	_ =	sdelay $0x1  }
0x178: {  	v9 =	vadd.f32 $-1.000000000e+00, v9;
	_ =	sdelay $0x1  }
0x179: {  	v9 =	vsub.f32 $0.0e+00, v9;
	(erf) = vpow2.f32 v7;
	v8 =	vmul.f32 v8, v6;
	_ =	sdelay $0x1  }
0x17a: {  	v7 =	vmul.f32 $1.442695020e+00, v9;
	_ =	sdelay $0x1  }
0x17b: {  	s18 =	simm.s32 $0x40;
	(erf) = vpow2.f32 v7;
	v7 =	vadd.f32 $-1.000000000e+00, v8;
	v8 =	vpop (erf)  }
0x17c: {  	v9 =	vld [tilespmem:s18+$0x0];
	v8 =	vadd.f32 $1.000000000e+00, v8;
	_ =	sdelay $0x1  }
0x17d: {  	v7 =	vsub.f32 $0.0e+00, v7;
	(erf) = vrcp.f32 v8;
	_ =	sdelay $0x1  }
0x17e: {  	v10 =	vpop (erf);
	v7 =	vmul.f32 $1.442695020e+00, v7  }
0x17f: {  	s19 =	simm.s32 $0x50;
	v9 =	vmul.f32 v9, v6;
	v8 =	vadd.f32 $1.000000000e+00, v10  }
0x180: {  	(erf) = vpow2.f32 v7;
	v7 =	vld [tilespmem:s19+$0x0]  }
0x181: {  	v9 =	vadd.f32 $-1.000000000e+00, v9;
	(erf) = vrcp.f32 v8;
	_ =	sdelay $0x1  }
0x182: {  	v9 =	vsub.f32 $0.0e+00, v9  }
0x183: {  	s20 =	simm.s32 $0x180;
	v8 =	vpop (erf)  }
.LBB2_22:
0x184: {  	s21 =	sshra.s32 s20, $0x2;
	v10 =	vmul.f32 v7, v6;
	v9 =	vmul.f32 $1.442695020e+00, v9;
	v11 =	vpop (erf);
	p0 =	sne.s32 s20, $0xFFC0  }
.Ltmp10:
0x185: {  	s20 =	sadd.s32 $0x40, s20;
	v8 =	vadd.f32 $1.000000000e+00, v8;
	v7 =	vld [tilespmem:s21+$0x0];
	[tilespmem:s16+$0x4000] =	vst v11;
	v11 =	vsub.f32 $1.000000000e+00, v11;
	(pc) =	sbr.rel @p0 .LBB2_22-.Ltmp10, $4  }
0x186: {  	v10 =	vadd.f32 $-1.000000000e+00, v10;
	(erf) = vpow2.f32 v9  }
0x187: {  	(erf) = vrcp.f32 v8;
	[tilespmem:s16+$0x8000] =	vst v11;
	s16 =	smov.u32 s15;
	s15 =	smov.u32 s14;
	s14 =	smov.u32 s17  }
0x188: {  	s17 =	smov.u32 s18;
	s18 =	smov.u32 s19;
	s19 =	smov.u32 s21;
	v9 =	vsub.f32 $0.0e+00, v10  }
0x189: {  	v8 =	vpop (erf)  }
0x18a: {  	v7 =	vmul.f32 v7, v6;
	_ =	sdelay $0x1  }
0x18b: {  	v7 =	vadd.f32 $-1.000000000e+00, v7;
	_ =	sdelay $0x1  }
0x18c: {  	v9 =	vmul.f32 $1.442695020e+00, v9;
	v7 =	vsub.f32 $0.0e+00, v7  }
0x18d: {  	v8 =	vadd.f32 $1.000000000e+00, v8  }
0x18e: {  	(erf) = vpow2.f32 v9;
	v7 =	vmul.f32 $1.442695020e+00, v7  }
0x18f: {  	(erf) = vrcp.f32 v8  }
0x190: {  	(erf) = vpow2.f32 v7;
	_ =	sdelay $0x1  }
0x191: {  	v7 =	vpop (erf)  }
0x192: {  	v8 =	vpop (erf)  }
0x193: {  	v8 =	vadd.f32 $1.000000000e+00, v8;
	_ =	sdelay $0x1  }
0x194: {  	v9 =	vpop (erf)  }
0x195: {  	v10 =	vpop (erf)  }
0x196: {  	(erf) = vrcp.f32 v8;
	v10 =	vadd.f32 $1.000000000e+00, v10;
	v8 =	vpop (erf)  }
0x197: {  	v11 =	vpop (erf)  }
0x198: {  	(erf) = vrcp.f32 v10;
	v10 =	vadd.f32 $1.000000000e+00, v11;
	_ =	sdelay $0x1  }
0x199: {  	(erf) = vrcp.f32 v10;
	v10 =	vsub.f32 $1.000000000e+00, v7  }
0x19a: {  	[tilespmem:s16+$0x4000] =	vst v7  }
0x19b: {  	v7 =	vsub.f32 $1.000000000e+00, v9;
	[tilespmem:s16+$0x8000] =	vst v10  }
0x19c: {  	[tilespmem:s15+$0x4000] =	vst v9  }
0x19d: {  	[tilespmem:s15+$0x8000] =	vst v7;
	v7 =	vsub.f32 $1.000000000e+00, v8  }
0x19e: {  	[tilespmem:s14+$0x4000] =	vst v8;
	v8 =	vpop (erf)  }
0x19f: {  	[tilespmem:s14+$0x8000] =	vst v7;
	v7 =	vsub.f32 $1.000000000e+00, v8  }
0x1a0: {  	[tilespmem:s17+$0x4000] =	vst v8;
	v8 =	vpop (erf)  }
0x1a1: {  	[tilespmem:s17+$0x8000] =	vst v7;
	v7 =	vsub.f32 $1.000000000e+00, v8  }
0x1a2: {  	[tilespmem:s18+$0x4000] =	vst v8;
	v8 =	vpop (erf)  }
0x1a3: {  	[tilespmem:s18+$0x8000] =	vst v7;
	v7 =	vsub.f32 $1.000000000e+00, v8  }
0x1a4: {  	[tilespmem:s19+$0x4000] =	vst v8  }
0x1a5: {  	s20 =	rddreg [dreg:$0x8];
	[tilespmem:s19+$0x8000] =	vst v7;
	s19 =	simm.s32 $0x0  }
0x1a6: {  	[hbm4b:s20+s19] =	stream.linear.scatter [tilespmem:s1], [sflag:$0x1], $0x4000, $0x38;
	[tilespmem:$0xC3B0] =	vst v63  }
0x1a7: {  	_ =	swait.ge [sflag:s2], $0x4000  }
0x1a8: {  	[sflag:s2] =	ssyncset.done $0x0  }
0x1a9: {  	s21 =	rddreg [dreg:$0x9];
	[sflag:s2] =	ssyncadd.s32 $0xFFFFC000  }
0x1aa: {  	[hbm4b:s21+s19] =	stream.linear.scatter [tilespmem:s12], [sflag:$0x1], $0x4000, $0x38;
	[tilespmem:$0xC3B0] =	vst v63  }
0x1ab: {  	_ =	swait.ge [sflag:s2], $0x4000  }
0x1ac: {  	[sflag:s2] =	ssyncset.done $0x0  }
0x1ad: {  	[sflag:s2] =	ssyncadd.s32 $0xFFFFC000  }
0x1ae: {  	[tilespmem:s19], [sflag:$0x1] =	stream.linear.gather [hbm4b:s7+s19], $0x4000, $0x38;
	[tilespmem:$0xC3B0] =	vst v63  }
0x1af: {  	_ =	swait.ge [sflag:s2], $0x4000  }
0x1b0: {  	[sflag:s2] =	ssyncset.done $0x0  }
0x1b1: {  	s16 =	simm.s32 $0x0;
	[sflag:s2] =	ssyncadd.s32 $0xFFFFC000  }
0x1b2: {  	v7 =	vld [tilespmem:s16+$0x0]  }
0x1b3: {  	s15 =	simm.s32 $0x10  }
0x1b4: {  	v8 =	vld [tilespmem:s15+$0x0];
	_ =	sdelay $0x2  }
0x1b5: {  	v7 =	vmul.f32 v7, v6;
	_ =	sdelay $0x1  }
0x1b6: {  	v8 =	vmul.f32 v8, v6;
	v7 =	vadd.f32 $-1.000000000e+00, v7  }
0x1b7: {  	s14 =	simm.s32 $0x20  }
0x1b8: {  	v9 =	vld [tilespmem:s14+$0x0];
	v8 =	vadd.f32 $-1.000000000e+00, v8;
	v7 =	vsub.f32 $0.0e+00, v7;
	_ =	sdelay $0x1  }
0x1b9: {  	v8 =	vsub.f32 $0.0e+00, v8;
	v7 =	vmul.f32 $1.442695020e+00, v7  }
0x1ba: {  	s17 =	simm.s32 $0x30  }
0x1bb: {  	(erf) = vpow2.f32 v7;
	v7 =	vmul.f32 $1.442695020e+00, v8;
	v8 =	vld [tilespmem:s17+$0x0]  }
0x1bc: {  	v9 =	vmul.f32 v9, v6;
	_ =	sdelay $0x1  }
0x1bd: {  	v9 =	vadd.f32 $-1.000000000e+00, v9;
	_ =	sdelay $0x1  }
0x1be: {  	v9 =	vsub.f32 $0.0e+00, v9;
	(erf) = vpow2.f32 v7;
	v8 =	vmul.f32 v8, v6;
	_ =	sdelay $0x1  }
0x1bf: {  	v7 =	vmul.f32 $1.442695020e+00, v9;
	_ =	sdelay $0x1  }
0x1c0: {  	s18 =	simm.s32 $0x40;
	(erf) = vpow2.f32 v7;
	v7 =	vadd.f32 $-1.000000000e+00, v8;
	v8 =	vpop (erf)  }
0x1c1: {  	v9 =	vld [tilespmem:s18+$0x0];
	v8 =	vadd.f32 $1.000000000e+00, v8;
	_ =	sdelay $0x1  }
0x1c2: {  	v7 =	vsub.f32 $0.0e+00, v7;
	(erf) = vrcp.f32 v8;
	_ =	sdelay $0x1  }
0x1c3: {  	v10 =	vpop (erf);
	v7 =	vmul.f32 $1.442695020e+00, v7  }
0x1c4: {  	s19 =	simm.s32 $0x50;
	v9 =	vmul.f32 v9, v6;
	v8 =	vadd.f32 $1.000000000e+00, v10  }
0x1c5: {  	(erf) = vpow2.f32 v7;
	v7 =	vld [tilespmem:s19+$0x0]  }
0x1c6: {  	v9 =	vadd.f32 $-1.000000000e+00, v9;
	(erf) = vrcp.f32 v8;
	_ =	sdelay $0x1  }
0x1c7: {  	v9 =	vsub.f32 $0.0e+00, v9  }
0x1c8: {  	s20 =	simm.s32 $0x180;
	v8 =	vpop (erf)  }
.LBB2_24:
0x1c9: {  	s21 =	sshra.s32 s20, $0x2;
	v10 =	vmul.f32 v7, v6;
	v9 =	vmul.f32 $1.442695020e+00, v9;
	v11 =	vpop (erf);
	p0 =	sne.s32 s20, $0xFFC0  }
.Ltmp11:
0x1ca: {  	s20 =	sadd.s32 $0x40, s20;
	v8 =	vadd.f32 $1.000000000e+00, v8;
	v7 =	vld [tilespmem:s21+$0x0];
	[tilespmem:s16+$0x4000] =	vst v11;
	v11 =	vsub.f32 $1.000000000e+00, v11;
	(pc) =	sbr.rel @p0 .LBB2_24-.Ltmp11, $4  }
0x1cb: {  	v10 =	vadd.f32 $-1.000000000e+00, v10;
	(erf) = vpow2.f32 v9  }
0x1cc: {  	(erf) = vrcp.f32 v8;
	[tilespmem:s16+$0x8000] =	vst v11;
	s16 =	smov.u32 s15;
	s15 =	smov.u32 s14;
	s14 =	smov.u32 s17  }
0x1cd: {  	s17 =	smov.u32 s18;
	s18 =	smov.u32 s19;
	s19 =	smov.u32 s21;
	v9 =	vsub.f32 $0.0e+00, v10  }
0x1ce: {  	v8 =	vpop (erf)  }
0x1cf: {  	v7 =	vmul.f32 v7, v6;
	_ =	sdelay $0x1  }
0x1d0: {  	v7 =	vadd.f32 $-1.000000000e+00, v7;
	_ =	sdelay $0x1  }
0x1d1: {  	v9 =	vmul.f32 $1.442695020e+00, v9;
	v7 =	vsub.f32 $0.0e+00, v7  }
0x1d2: {  	v8 =	vadd.f32 $1.000000000e+00, v8  }
0x1d3: {  	(erf) = vpow2.f32 v9;
	v7 =	vmul.f32 $1.442695020e+00, v7  }
0x1d4: {  	(erf) = vrcp.f32 v8  }
0x1d5: {  	(erf) = vpow2.f32 v7;
	_ =	sdelay $0x1  }
0x1d6: {  	v7 =	vpop (erf)  }
0x1d7: {  	v8 =	vpop (erf)  }
0x1d8: {  	v8 =	vadd.f32 $1.000000000e+00, v8;
	_ =	sdelay $0x1  }
0x1d9: {  	v9 =	vpop (erf)  }
0x1da: {  	v10 =	vpop (erf)  }
0x1db: {  	(erf) = vrcp.f32 v8;
	v10 =	vadd.f32 $1.000000000e+00, v10;
	v8 =	vpop (erf)  }
0x1dc: {  	v11 =	vpop (erf)  }
0x1dd: {  	(erf) = vrcp.f32 v10;
	v10 =	vadd.f32 $1.000000000e+00, v11;
	_ =	sdelay $0x1  }
0x1de: {  	(erf) = vrcp.f32 v10;
	v10 =	vsub.f32 $1.000000000e+00, v7  }
0x1df: {  	[tilespmem:s16+$0x4000] =	vst v7  }
0x1e0: {  	v7 =	vsub.f32 $1.000000000e+00, v9;
	[tilespmem:s16+$0x8000] =	vst v10  }
0x1e1: {  	[tilespmem:s15+$0x4000] =	vst v9  }
0x1e2: {  	[tilespmem:s15+$0x8000] =	vst v7;
	v7 =	vsub.f32 $1.000000000e+00, v8  }
0x1e3: {  	[tilespmem:s14+$0x4000] =	vst v8;
	v8 =	vpop (erf)  }
0x1e4: {  	[tilespmem:s14+$0x8000] =	vst v7;
	v7 =	vsub.f32 $1.000000000e+00, v8  }
0x1e5: {  	[tilespmem:s17+$0x4000] =	vst v8;
	v8 =	vpop (erf)  }
0x1e6: {  	[tilespmem:s17+$0x8000] =	vst v7;
	v7 =	vsub.f32 $1.000000000e+00, v8  }
0x1e7: {  	[tilespmem:s18+$0x4000] =	vst v8;
	v8 =	vpop (erf)  }
0x1e8: {  	[tilespmem:s18+$0x8000] =	vst v7;
	v7 =	vsub.f32 $1.000000000e+00, v8  }
0x1e9: {  	[tilespmem:s19+$0x4000] =	vst v8  }
0x1ea: {  	s20 =	rddreg [dreg:$0xa];
	[tilespmem:s19+$0x8000] =	vst v7;
	s19 =	simm.s32 $0x0  }
0x1eb: {  	[hbm4b:s20+s19] =	stream.linear.scatter [tilespmem:s1], [sflag:$0x1], $0x4000, $0x38;
	[tilespmem:$0xC3B0] =	vst v63  }
0x1ec: {  	_ =	swait.ge [sflag:s2], $0x4000  }
0x1ed: {  	[sflag:s2] =	ssyncset.done $0x0  }
0x1ee: {  	s21 =	rddreg [dreg:$0xb];
	[sflag:s2] =	ssyncadd.s32 $0xFFFFC000  }
0x1ef: {  	[hbm4b:s21+s19] =	stream.linear.scatter [tilespmem:s12], [sflag:$0x1], $0x4000, $0x38;
	[tilespmem:$0xC3B0] =	vst v63  }
0x1f0: {  	_ =	swait.ge [sflag:s2], $0x4000  }
0x1f1: {  	[sflag:s2] =	ssyncset.done $0x0  }
0x1f2: {  	[sflag:s2] =	ssyncadd.s32 $0xFFFFC000  }
0x1f3: {  	[tilespmem:s19], [sflag:$0x1] =	stream.linear.gather [hbm4b:s8+s19], $0x4000, $0x38;
	[tilespmem:$0xC3B0] =	vst v63  }
0x1f4: {  	_ =	swait.ge [sflag:s2], $0x4000  }
0x1f5: {  	[sflag:s2] =	ssyncset.done $0x0  }
0x1f6: {  	s16 =	simm.s32 $0x0;
	[sflag:s2] =	ssyncadd.s32 $0xFFFFC000  }
0x1f7: {  	v7 =	vld [tilespmem:s16+$0x0]  }
0x1f8: {  	s15 =	simm.s32 $0x10  }
0x1f9: {  	v8 =	vld [tilespmem:s15+$0x0];
	_ =	sdelay $0x2  }
0x1fa: {  	v7 =	vmul.f32 v7, v6;
	_ =	sdelay $0x1  }
0x1fb: {  	v8 =	vmul.f32 v8, v6;
	v7 =	vadd.f32 $-1.000000000e+00, v7  }
0x1fc: {  	s14 =	simm.s32 $0x20  }
0x1fd: {  	v9 =	vld [tilespmem:s14+$0x0];
	v8 =	vadd.f32 $-1.000000000e+00, v8;
	v7 =	vsub.f32 $0.0e+00, v7;
	_ =	sdelay $0x1  }
0x1fe: {  	v8 =	vsub.f32 $0.0e+00, v8;
	v7 =	vmul.f32 $1.442695020e+00, v7  }
0x1ff: {  	s17 =	simm.s32 $0x30  }
0x200: {  	(erf) = vpow2.f32 v7;
	v7 =	vmul.f32 $1.442695020e+00, v8;
	v8 =	vld [tilespmem:s17+$0x0]  }
0x201: {  	v9 =	vmul.f32 v9, v6;
	_ =	sdelay $0x1  }
0x202: {  	v9 =	vadd.f32 $-1.000000000e+00, v9;
	_ =	sdelay $0x1  }
0x203: {  	v9 =	vsub.f32 $0.0e+00, v9;
	(erf) = vpow2.f32 v7;
	v8 =	vmul.f32 v8, v6;
	_ =	sdelay $0x1  }
0x204: {  	v7 =	vmul.f32 $1.442695020e+00, v9;
	_ =	sdelay $0x1  }
0x205: {  	s18 =	simm.s32 $0x40;
	(erf) = vpow2.f32 v7;
	v7 =	vadd.f32 $-1.000000000e+00, v8;
	v8 =	vpop (erf)  }
0x206: {  	v9 =	vld [tilespmem:s18+$0x0];
	v8 =	vadd.f32 $1.000000000e+00, v8;
	_ =	sdelay $0x1  }
0x207: {  	v7 =	vsub.f32 $0.0e+00, v7;
	(erf) = vrcp.f32 v8;
	_ =	sdelay $0x1  }
0x208: {  	v10 =	vpop (erf);
	v7 =	vmul.f32 $1.442695020e+00, v7  }
0x209: {  	s19 =	simm.s32 $0x50;
	v9 =	vmul.f32 v9, v6;
	v8 =	vadd.f32 $1.000000000e+00, v10  }
0x20a: {  	(erf) = vpow2.f32 v7;
	v7 =	vld [tilespmem:s19+$0x0]  }
0x20b: {  	v9 =	vadd.f32 $-1.000000000e+00, v9;
	(erf) = vrcp.f32 v8;
	_ =	sdelay $0x1  }
0x20c: {  	v9 =	vsub.f32 $0.0e+00, v9  }
0x20d: {  	s20 =	simm.s32 $0x180;
	v8 =	vpop (erf)  }
.LBB2_26:
0x20e: {  	s21 =	sshra.s32 s20, $0x2;
	v10 =	vmul.f32 v7, v6;
	v9 =	vmul.f32 $1.442695020e+00, v9;
	v11 =	vpop (erf);
	p0 =	sne.s32 s20, $0xFFC0  }
.Ltmp12:
0x20f: {  	s20 =	sadd.s32 $0x40, s20;
	v8 =	vadd.f32 $1.000000000e+00, v8;
	v7 =	vld [tilespmem:s21+$0x0];
	[tilespmem:s16+$0x4000] =	vst v11;
	v11 =	vsub.f32 $1.000000000e+00, v11;
	(pc) =	sbr.rel @p0 .LBB2_26-.Ltmp12, $4  }
0x210: {  	v10 =	vadd.f32 $-1.000000000e+00, v10;
	(erf) = vpow2.f32 v9  }
0x211: {  	(erf) = vrcp.f32 v8;
	[tilespmem:s16+$0x8000] =	vst v11;
	s16 =	smov.u32 s15;
	s15 =	smov.u32 s14;
	s14 =	smov.u32 s17  }
0x212: {  	s17 =	smov.u32 s18;
	s18 =	smov.u32 s19;
	s19 =	smov.u32 s21;
	v9 =	vsub.f32 $0.0e+00, v10  }
0x213: {  	v8 =	vpop (erf)  }
0x214: {  	v7 =	vmul.f32 v7, v6;
	_ =	sdelay $0x1  }
0x215: {  	v7 =	vadd.f32 $-1.000000000e+00, v7;
	_ =	sdelay $0x1  }
0x216: {  	v9 =	vmul.f32 $1.442695020e+00, v9;
	v7 =	vsub.f32 $0.0e+00, v7  }
0x217: {  	v8 =	vadd.f32 $1.000000000e+00, v8  }
0x218: {  	(erf) = vpow2.f32 v9;
	v7 =	vmul.f32 $1.442695020e+00, v7  }
0x219: {  	(erf) = vrcp.f32 v8  }
0x21a: {  	(erf) = vpow2.f32 v7;
	_ =	sdelay $0x1  }
0x21b: {  	v7 =	vpop (erf)  }
0x21c: {  	v8 =	vpop (erf)  }
0x21d: {  	v8 =	vadd.f32 $1.000000000e+00, v8;
	_ =	sdelay $0x1  }
0x21e: {  	v9 =	vpop (erf)  }
0x21f: {  	v10 =	vpop (erf)  }
0x220: {  	(erf) = vrcp.f32 v8;
	v10 =	vadd.f32 $1.000000000e+00, v10;
	v8 =	vpop (erf)  }
0x221: {  	v11 =	vpop (erf)  }
0x222: {  	(erf) = vrcp.f32 v10;
	v10 =	vadd.f32 $1.000000000e+00, v11;
	_ =	sdelay $0x1  }
0x223: {  	(erf) = vrcp.f32 v10;
	v10 =	vsub.f32 $1.000000000e+00, v7  }
0x224: {  	[tilespmem:s16+$0x4000] =	vst v7  }
0x225: {  	v7 =	vsub.f32 $1.000000000e+00, v9;
	[tilespmem:s16+$0x8000] =	vst v10  }
0x226: {  	[tilespmem:s15+$0x4000] =	vst v9  }
0x227: {  	[tilespmem:s15+$0x8000] =	vst v7;
	v7 =	vsub.f32 $1.000000000e+00, v8  }
0x228: {  	[tilespmem:s14+$0x4000] =	vst v8;
	v8 =	vpop (erf)  }
0x229: {  	[tilespmem:s14+$0x8000] =	vst v7;
	v7 =	vsub.f32 $1.000000000e+00, v8  }
0x22a: {  	[tilespmem:s17+$0x4000] =	vst v8;
	v8 =	vpop (erf)  }
0x22b: {  	[tilespmem:s17+$0x8000] =	vst v7;
	v7 =	vsub.f32 $1.000000000e+00, v8  }
0x22c: {  	[tilespmem:s18+$0x4000] =	vst v8;
	v8 =	vpop (erf)  }
0x22d: {  	[tilespmem:s18+$0x8000] =	vst v7;
	v7 =	vsub.f32 $1.000000000e+00, v8  }
0x22e: {  	[tilespmem:s19+$0x4000] =	vst v8  }
0x22f: {  	s20 =	rddreg [dreg:$0xc];
	[tilespmem:s19+$0x8000] =	vst v7;
	s19 =	simm.s32 $0x0  }
0x230: {  	[hbm4b:s20+s19] =	stream.linear.scatter [tilespmem:s1], [sflag:$0x1], $0x4000, $0x38;
	[tilespmem:$0xC3B0] =	vst v63  }
0x231: {  	_ =	swait.ge [sflag:s2], $0x4000  }
0x232: {  	[sflag:s2] =	ssyncset.done $0x0  }
0x233: {  	s21 =	rddreg [dreg:$0xd];
	[sflag:s2] =	ssyncadd.s32 $0xFFFFC000  }
0x234: {  	[hbm4b:s21+s19] =	stream.linear.scatter [tilespmem:s12], [sflag:$0x1], $0x4000, $0x38;
	[tilespmem:$0xC3B0] =	vst v63  }
0x235: {  	_ =	swait.ge [sflag:s2], $0x4000  }
0x236: {  	[sflag:s2] =	ssyncset.done $0x0  }
0x237: {  	[sflag:s2] =	ssyncadd.s32 $0xFFFFC000  }
0x238: {  	[tilespmem:s19], [sflag:$0x1] =	stream.linear.gather [hbm4b:s9+s19], $0x4000, $0x38;
	[tilespmem:$0xC3B0] =	vst v63  }
0x239: {  	_ =	swait.ge [sflag:s2], $0x4000  }
0x23a: {  	[sflag:s2] =	ssyncset.done $0x0  }
0x23b: {  	s16 =	simm.s32 $0x0;
	[sflag:s2] =	ssyncadd.s32 $0xFFFFC000  }
0x23c: {  	v7 =	vld [tilespmem:s16+$0x0]  }
0x23d: {  	s15 =	simm.s32 $0x10  }
0x23e: {  	v8 =	vld [tilespmem:s15+$0x0];
	_ =	sdelay $0x2  }
0x23f: {  	v7 =	vmul.f32 v7, v6;
	_ =	sdelay $0x1  }
0x240: {  	v8 =	vmul.f32 v8, v6;
	v7 =	vadd.f32 $-1.000000000e+00, v7  }
0x241: {  	s14 =	simm.s32 $0x20  }
0x242: {  	v9 =	vld [tilespmem:s14+$0x0];
	v8 =	vadd.f32 $-1.000000000e+00, v8;
	v7 =	vsub.f32 $0.0e+00, v7;
	_ =	sdelay $0x1  }
0x243: {  	v8 =	vsub.f32 $0.0e+00, v8;
	v7 =	vmul.f32 $1.442695020e+00, v7  }
0x244: {  	s17 =	simm.s32 $0x30  }
0x245: {  	(erf) = vpow2.f32 v7;
	v7 =	vmul.f32 $1.442695020e+00, v8;
	v8 =	vld [tilespmem:s17+$0x0]  }
0x246: {  	v9 =	vmul.f32 v9, v6;
	_ =	sdelay $0x1  }
0x247: {  	v9 =	vadd.f32 $-1.000000000e+00, v9;
	_ =	sdelay $0x1  }
0x248: {  	v9 =	vsub.f32 $0.0e+00, v9;
	(erf) = vpow2.f32 v7;
	v8 =	vmul.f32 v8, v6;
	_ =	sdelay $0x1  }
0x249: {  	v7 =	vmul.f32 $1.442695020e+00, v9;
	_ =	sdelay $0x1  }
0x24a: {  	s18 =	simm.s32 $0x40;
	(erf) = vpow2.f32 v7;
	v7 =	vadd.f32 $-1.000000000e+00, v8;
	v8 =	vpop (erf)  }
0x24b: {  	v9 =	vld [tilespmem:s18+$0x0];
	v8 =	vadd.f32 $1.000000000e+00, v8;
	_ =	sdelay $0x1  }
0x24c: {  	v7 =	vsub.f32 $0.0e+00, v7;
	(erf) = vrcp.f32 v8;
	_ =	sdelay $0x1  }
0x24d: {  	v10 =	vpop (erf);
	v7 =	vmul.f32 $1.442695020e+00, v7  }
0x24e: {  	s19 =	simm.s32 $0x50;
	v9 =	vmul.f32 v9, v6;
	v8 =	vadd.f32 $1.000000000e+00, v10  }
0x24f: {  	(erf) = vpow2.f32 v7;
	v7 =	vld [tilespmem:s19+$0x0]  }
0x250: {  	v9 =	vadd.f32 $-1.000000000e+00, v9;
	(erf) = vrcp.f32 v8;
	_ =	sdelay $0x1  }
0x251: {  	v9 =	vsub.f32 $0.0e+00, v9  }
0x252: {  	s20 =	simm.s32 $0x180;
	v8 =	vpop (erf)  }
.LBB2_28:
0x253: {  	s21 =	sshra.s32 s20, $0x2;
	v10 =	vmul.f32 v7, v6;
	v9 =	vmul.f32 $1.442695020e+00, v9;
	v11 =	vpop (erf);
	p0 =	sne.s32 s20, $0xFFC0  }
.Ltmp13:
0x254: {  	s20 =	sadd.s32 $0x40, s20;
	v8 =	vadd.f32 $1.000000000e+00, v8;
	v7 =	vld [tilespmem:s21+$0x0];
	[tilespmem:s16+$0x4000] =	vst v11;
	v11 =	vsub.f32 $1.000000000e+00, v11;
	(pc) =	sbr.rel @p0 .LBB2_28-.Ltmp13, $4  }
0x255: {  	v10 =	vadd.f32 $-1.000000000e+00, v10;
	(erf) = vpow2.f32 v9  }
0x256: {  	(erf) = vrcp.f32 v8;
	[tilespmem:s16+$0x8000] =	vst v11;
	s16 =	smov.u32 s15;
	s15 =	smov.u32 s14;
	s14 =	smov.u32 s17  }
0x257: {  	s17 =	smov.u32 s18;
	s18 =	smov.u32 s19;
	s19 =	smov.u32 s21;
	v9 =	vsub.f32 $0.0e+00, v10  }
0x258: {  	v8 =	vpop (erf)  }
0x259: {  	v7 =	vmul.f32 v7, v6;
	_ =	sdelay $0x1  }
0x25a: {  	v7 =	vadd.f32 $-1.000000000e+00, v7;
	_ =	sdelay $0x1  }
0x25b: {  	v9 =	vmul.f32 $1.442695020e+00, v9;
	v7 =	vsub.f32 $0.0e+00, v7  }
0x25c: {  	v8 =	vadd.f32 $1.000000000e+00, v8  }
0x25d: {  	(erf) = vpow2.f32 v9;
	v7 =	vmul.f32 $1.442695020e+00, v7  }
0x25e: {  	(erf) = vrcp.f32 v8  }
0x25f: {  	(erf) = vpow2.f32 v7;
	_ =	sdelay $0x1  }
0x260: {  	v7 =	vpop (erf)  }
0x261: {  	v8 =	vpop (erf)  }
0x262: {  	v8 =	vadd.f32 $1.000000000e+00, v8;
	_ =	sdelay $0x1  }
0x263: {  	v9 =	vpop (erf)  }
0x264: {  	v10 =	vpop (erf)  }
0x265: {  	(erf) = vrcp.f32 v8;
	v10 =	vadd.f32 $1.000000000e+00, v10;
	v8 =	vpop (erf)  }
0x266: {  	v11 =	vpop (erf)  }
0x267: {  	(erf) = vrcp.f32 v10;
	v10 =	vadd.f32 $1.000000000e+00, v11;
	_ =	sdelay $0x1  }
0x268: {  	(erf) = vrcp.f32 v10;
	v10 =	vsub.f32 $1.000000000e+00, v7  }
0x269: {  	[tilespmem:s16+$0x4000] =	vst v7  }
0x26a: {  	v7 =	vsub.f32 $1.000000000e+00, v9;
	[tilespmem:s16+$0x8000] =	vst v10  }
0x26b: {  	[tilespmem:s15+$0x4000] =	vst v9  }
0x26c: {  	[tilespmem:s15+$0x8000] =	vst v7;
	v7 =	vsub.f32 $1.000000000e+00, v8  }
0x26d: {  	[tilespmem:s14+$0x4000] =	vst v8;
	v8 =	vpop (erf)  }
0x26e: {  	[tilespmem:s14+$0x8000] =	vst v7;
	v7 =	vsub.f32 $1.000000000e+00, v8  }
0x26f: {  	[tilespmem:s17+$0x4000] =	vst v8;
	v8 =	vpop (erf)  }
0x270: {  	[tilespmem:s17+$0x8000] =	vst v7;
	v7 =	vsub.f32 $1.000000000e+00, v8  }
0x271: {  	[tilespmem:s18+$0x4000] =	vst v8;
	v8 =	vpop (erf)  }
0x272: {  	[tilespmem:s18+$0x8000] =	vst v7;
	v7 =	vsub.f32 $1.000000000e+00, v8  }
0x273: {  	[tilespmem:s19+$0x4000] =	vst v8  }
0x274: {  	s21 =	simm.s32 $0x0;
	[tilespmem:s19+$0x8000] =	vst v7  }
0x275: {  	[hbm4b:s22+s21] =	stream.linear.scatter [tilespmem:s1], [sflag:$0x1], $0x4000, $0x38;
	[tilespmem:$0xC3B0] =	vst v63  }
0x276: {  	_ =	swait.ge [sflag:s2], $0x4000  }
0x277: {  	[sflag:s2] =	ssyncset.done $0x0  }
0x278: {  	[sflag:s2] =	ssyncadd.s32 $0xFFFFC000  }
0x279: {  	[hbm4b:s23+s21] =	stream.linear.scatter [tilespmem:s12], [sflag:$0x1], $0x4000, $0x38;
	[tilespmem:$0xC3B0] =	vst v63  }
0x27a: {  	_ =	swait.ge [sflag:s2], $0x4000  }
0x27b: {  	[sflag:s2] =	ssyncset.done $0x0  }
0x27c: {  	[sflag:s2] =	ssyncadd.s32 $0xFFFFC000  }
0x27d: {  	[tilespmem:s21], [sflag:$0x1] =	stream.linear.gather [hbm4b:s10+s21], $0x4000, $0x38;
	[tilespmem:$0xC3B0] =	vst v63  }
0x27e: {  	_ =	swait.ge [sflag:s2], $0x4000  }
0x27f: {  	[sflag:s2] =	ssyncset.done $0x0  }
0x280: {  	s16 =	simm.s32 $0x0;
	[sflag:s2] =	ssyncadd.s32 $0xFFFFC000  }
0x281: {  	v7 =	vld [tilespmem:s16+$0x0]  }
0x282: {  	s15 =	simm.s32 $0x10  }
0x283: {  	v8 =	vld [tilespmem:s15+$0x0];
	_ =	sdelay $0x2  }
0x284: {  	v7 =	vmul.f32 v7, v6;
	_ =	sdelay $0x1  }
0x285: {  	v8 =	vmul.f32 v8, v6;
	v7 =	vadd.f32 $-1.000000000e+00, v7  }
0x286: {  	s14 =	simm.s32 $0x20  }
0x287: {  	v9 =	vld [tilespmem:s14+$0x0];
	v8 =	vadd.f32 $-1.000000000e+00, v8;
	v7 =	vsub.f32 $0.0e+00, v7;
	_ =	sdelay $0x1  }
0x288: {  	v8 =	vsub.f32 $0.0e+00, v8;
	v7 =	vmul.f32 $1.442695020e+00, v7  }
0x289: {  	s17 =	simm.s32 $0x30  }
0x28a: {  	(erf) = vpow2.f32 v7;
	v7 =	vmul.f32 $1.442695020e+00, v8;
	v8 =	vld [tilespmem:s17+$0x0]  }
0x28b: {  	v9 =	vmul.f32 v9, v6;
	_ =	sdelay $0x1  }
0x28c: {  	v9 =	vadd.f32 $-1.000000000e+00, v9;
	_ =	sdelay $0x1  }
0x28d: {  	v9 =	vsub.f32 $0.0e+00, v9;
	(erf) = vpow2.f32 v7;
	v8 =	vmul.f32 v8, v6;
	_ =	sdelay $0x1  }
0x28e: {  	v7 =	vmul.f32 $1.442695020e+00, v9;
	_ =	sdelay $0x1  }
0x28f: {  	s18 =	simm.s32 $0x40;
	(erf) = vpow2.f32 v7;
	v7 =	vadd.f32 $-1.000000000e+00, v8;
	v8 =	vpop (erf)  }
0x290: {  	v9 =	vld [tilespmem:s18+$0x0];
	v8 =	vadd.f32 $1.000000000e+00, v8;
	_ =	sdelay $0x1  }
0x291: {  	v7 =	vsub.f32 $0.0e+00, v7;
	(erf) = vrcp.f32 v8;
	_ =	sdelay $0x1  }
0x292: {  	v10 =	vpop (erf);
	v7 =	vmul.f32 $1.442695020e+00, v7  }
0x293: {  	s19 =	simm.s32 $0x50;
	v9 =	vmul.f32 v9, v6;
	v8 =	vadd.f32 $1.000000000e+00, v10  }
0x294: {  	(erf) = vpow2.f32 v7;
	v7 =	vld [tilespmem:s19+$0x0]  }
0x295: {  	v9 =	vadd.f32 $-1.000000000e+00, v9;
	(erf) = vrcp.f32 v8;
	_ =	sdelay $0x1  }
0x296: {  	v9 =	vsub.f32 $0.0e+00, v9  }
0x297: {  	s20 =	simm.s32 $0x180;
	v8 =	vpop (erf)  }
.LBB2_30:
0x298: {  	s21 =	sshra.s32 s20, $0x2;
	v10 =	vmul.f32 v7, v6;
	v9 =	vmul.f32 $1.442695020e+00, v9;
	v11 =	vpop (erf);
	p0 =	sne.s32 s20, $0xFFC0  }
.Ltmp14:
0x299: {  	s20 =	sadd.s32 $0x40, s20;
	v8 =	vadd.f32 $1.000000000e+00, v8;
	v7 =	vld [tilespmem:s21+$0x0];
	[tilespmem:s16+$0x4000] =	vst v11;
	v11 =	vsub.f32 $1.000000000e+00, v11;
	(pc) =	sbr.rel @p0 .LBB2_30-.Ltmp14, $4  }
0x29a: {  	v10 =	vadd.f32 $-1.000000000e+00, v10;
	(erf) = vpow2.f32 v9  }
0x29b: {  	(erf) = vrcp.f32 v8;
	[tilespmem:s16+$0x8000] =	vst v11;
	s16 =	smov.u32 s15;
	s15 =	smov.u32 s14;
	s14 =	smov.u32 s17  }
0x29c: {  	s17 =	smov.u32 s18;
	s18 =	smov.u32 s19;
	s19 =	smov.u32 s21;
	v9 =	vsub.f32 $0.0e+00, v10  }
0x29d: {  	v8 =	vpop (erf)  }
0x29e: {  	v7 =	vmul.f32 v7, v6;
	_ =	sdelay $0x1  }
0x29f: {  	v7 =	vadd.f32 $-1.000000000e+00, v7;
	_ =	sdelay $0x1  }
0x2a0: {  	v9 =	vmul.f32 $1.442695020e+00, v9;
	v7 =	vsub.f32 $0.0e+00, v7  }
0x2a1: {  	v8 =	vadd.f32 $1.000000000e+00, v8  }
0x2a2: {  	(erf) = vpow2.f32 v9;
	v7 =	vmul.f32 $1.442695020e+00, v7  }
0x2a3: {  	(erf) = vrcp.f32 v8  }
0x2a4: {  	(erf) = vpow2.f32 v7;
	_ =	sdelay $0x1  }
0x2a5: {  	v7 =	vpop (erf)  }
0x2a6: {  	v8 =	vpop (erf)  }
0x2a7: {  	v8 =	vadd.f32 $1.000000000e+00, v8;
	_ =	sdelay $0x1  }
0x2a8: {  	v9 =	vpop (erf)  }
0x2a9: {  	v10 =	vpop (erf)  }
0x2aa: {  	(erf) = vrcp.f32 v8;
	v10 =	vadd.f32 $1.000000000e+00, v10;
	v8 =	vpop (erf)  }
0x2ab: {  	v11 =	vpop (erf)  }
0x2ac: {  	(erf) = vrcp.f32 v10;
	v10 =	vadd.f32 $1.000000000e+00, v11;
	_ =	sdelay $0x1  }
0x2ad: {  	(erf) = vrcp.f32 v10;
	v10 =	vsub.f32 $1.000000000e+00, v7  }
0x2ae: {  	[tilespmem:s16+$0x4000] =	vst v7  }
0x2af: {  	v7 =	vsub.f32 $1.000000000e+00, v9;
	[tilespmem:s16+$0x8000] =	vst v10  }
0x2b0: {  	[tilespmem:s15+$0x4000] =	vst v9  }
0x2b1: {  	[tilespmem:s15+$0x8000] =	vst v7;
	v7 =	vsub.f32 $1.000000000e+00, v8  }
0x2b2: {  	[tilespmem:s14+$0x4000] =	vst v8;
	v8 =	vpop (erf)  }
0x2b3: {  	[tilespmem:s14+$0x8000] =	vst v7;
	v7 =	vsub.f32 $1.000000000e+00, v8  }
0x2b4: {  	[tilespmem:s17+$0x4000] =	vst v8;
	v8 =	vpop (erf)  }
0x2b5: {  	[tilespmem:s17+$0x8000] =	vst v7;
	v7 =	vsub.f32 $1.000000000e+00, v8  }
0x2b6: {  	[tilespmem:s18+$0x4000] =	vst v8;
	v8 =	vpop (erf)  }
0x2b7: {  	[tilespmem:s18+$0x8000] =	vst v7;
	v7 =	vsub.f32 $1.000000000e+00, v8  }
0x2b8: {  	[tilespmem:s19+$0x4000] =	vst v8  }
0x2b9: {  	s21 =	simm.s32 $0x0;
	[tilespmem:s19+$0x8000] =	vst v7  }
0x2ba: {  	[hbm4b:s25+s21] =	stream.linear.scatter [tilespmem:s1], [sflag:$0x1], $0x4000, $0x38;
	[tilespmem:$0xC3B0] =	vst v63  }
0x2bb: {  	_ =	swait.ge [sflag:s2], $0x4000  }
0x2bc: {  	[sflag:s2] =	ssyncset.done $0x0  }
0x2bd: {  	[sflag:s2] =	ssyncadd.s32 $0xFFFFC000  }
0x2be: {  	[hbm4b:s26+s21] =	stream.linear.scatter [tilespmem:s12], [sflag:$0x1], $0x4000, $0x38;
	[tilespmem:$0xC3B0] =	vst v63  }
0x2bf: {  	_ =	swait.ge [sflag:s2], $0x4000  }
0x2c0: {  	[sflag:s2] =	ssyncset.done $0x0  }
0x2c1: {  	[sflag:s2] =	ssyncadd.s32 $0xFFFFC000  }
0x2c2: {  	[tilespmem:s21], [sflag:$0x1] =	stream.linear.gather [hbm4b:s11+s21], $0x4000, $0x38;
	[tilespmem:$0xC3B0] =	vst v63  }
0x2c3: {  	_ =	swait.ge [sflag:s2], $0x4000  }
0x2c4: {  	[sflag:s2] =	ssyncset.done $0x0  }
0x2c5: {  	s16 =	simm.s32 $0x0;
	[sflag:s2] =	ssyncadd.s32 $0xFFFFC000  }
0x2c6: {  	v7 =	vld [tilespmem:s16+$0x0]  }
0x2c7: {  	s15 =	simm.s32 $0x10  }
0x2c8: {  	v8 =	vld [tilespmem:s15+$0x0];
	_ =	sdelay $0x2  }
0x2c9: {  	v7 =	vmul.f32 v7, v6;
	_ =	sdelay $0x1  }
0x2ca: {  	v8 =	vmul.f32 v8, v6;
	v7 =	vadd.f32 $-1.000000000e+00, v7  }
0x2cb: {  	s14 =	simm.s32 $0x20  }
0x2cc: {  	v9 =	vld [tilespmem:s14+$0x0];
	v8 =	vadd.f32 $-1.000000000e+00, v8;
	v7 =	vsub.f32 $0.0e+00, v7;
	_ =	sdelay $0x1  }
0x2cd: {  	v8 =	vsub.f32 $0.0e+00, v8;
	v7 =	vmul.f32 $1.442695020e+00, v7  }
0x2ce: {  	s17 =	simm.s32 $0x30  }
0x2cf: {  	(erf) = vpow2.f32 v7;
	v7 =	vmul.f32 $1.442695020e+00, v8;
	v8 =	vld [tilespmem:s17+$0x0]  }
0x2d0: {  	v9 =	vmul.f32 v9, v6;
	_ =	sdelay $0x1  }
0x2d1: {  	v9 =	vadd.f32 $-1.000000000e+00, v9;
	_ =	sdelay $0x1  }
0x2d2: {  	v9 =	vsub.f32 $0.0e+00, v9;
	(erf) = vpow2.f32 v7;
	v8 =	vmul.f32 v8, v6;
	_ =	sdelay $0x1  }
0x2d3: {  	v7 =	vmul.f32 $1.442695020e+00, v9;
	_ =	sdelay $0x1  }
0x2d4: {  	s18 =	simm.s32 $0x40;
	(erf) = vpow2.f32 v7;
	v7 =	vadd.f32 $-1.000000000e+00, v8;
	v8 =	vpop (erf)  }
0x2d5: {  	v9 =	vld [tilespmem:s18+$0x0];
	v8 =	vadd.f32 $1.000000000e+00, v8;
	_ =	sdelay $0x1  }
0x2d6: {  	v7 =	vsub.f32 $0.0e+00, v7;
	(erf) = vrcp.f32 v8;
	_ =	sdelay $0x1  }
0x2d7: {  	v10 =	vpop (erf);
	v7 =	vmul.f32 $1.442695020e+00, v7  }
0x2d8: {  	s19 =	simm.s32 $0x50;
	v9 =	vmul.f32 v9, v6;
	v8 =	vadd.f32 $1.000000000e+00, v10  }
0x2d9: {  	(erf) = vpow2.f32 v7;
	v7 =	vld [tilespmem:s19+$0x0]  }
0x2da: {  	v9 =	vadd.f32 $-1.000000000e+00, v9;
	(erf) = vrcp.f32 v8;
	_ =	sdelay $0x1  }
0x2db: {  	v9 =	vsub.f32 $0.0e+00, v9  }
0x2dc: {  	s20 =	simm.s32 $0x180;
	v8 =	vpop (erf)  }
.LBB2_32:
0x2dd: {  	s21 =	sshra.s32 s20, $0x2;
	v10 =	vmul.f32 v7, v6;
	v9 =	vmul.f32 $1.442695020e+00, v9;
	v11 =	vpop (erf);
	p0 =	sne.s32 s20, $0xFFC0  }
.Ltmp15:
0x2de: {  	s20 =	sadd.s32 $0x40, s20;
	v8 =	vadd.f32 $1.000000000e+00, v8;
	v7 =	vld [tilespmem:s21+$0x0];
	[tilespmem:s16+$0x4000] =	vst v11;
	v11 =	vsub.f32 $1.000000000e+00, v11;
	(pc) =	sbr.rel @p0 .LBB2_32-.Ltmp15, $4  }
0x2df: {  	v10 =	vadd.f32 $-1.000000000e+00, v10;
	(erf) = vpow2.f32 v9  }
0x2e0: {  	(erf) = vrcp.f32 v8;
	[tilespmem:s16+$0x8000] =	vst v11;
	s16 =	smov.u32 s15;
	s15 =	smov.u32 s14;
	s14 =	smov.u32 s17  }
0x2e1: {  	s17 =	smov.u32 s18;
	s18 =	smov.u32 s19;
	s19 =	smov.u32 s21;
	v9 =	vsub.f32 $0.0e+00, v10  }
0x2e2: {  	v8 =	vpop (erf)  }
0x2e3: {  	v6 =	vmul.f32 v7, v6;
	_ =	sdelay $0x1  }
0x2e4: {  	v6 =	vadd.f32 $-1.000000000e+00, v6;
	_ =	sdelay $0x1  }
0x2e5: {  	v7 =	vmul.f32 $1.442695020e+00, v9;
	v6 =	vsub.f32 $0.0e+00, v6  }
0x2e6: {  	v8 =	vadd.f32 $1.000000000e+00, v8  }
0x2e7: {  	(erf) = vpow2.f32 v7;
	v6 =	vmul.f32 $1.442695020e+00, v6  }
0x2e8: {  	(erf) = vrcp.f32 v8  }
0x2e9: {  	(erf) = vpow2.f32 v6;
	_ =	sdelay $0x1  }
0x2ea: {  	v6 =	vpop (erf)  }
0x2eb: {  	v7 =	vpop (erf)  }
0x2ec: {  	v7 =	vadd.f32 $1.000000000e+00, v7;
	_ =	sdelay $0x1  }
0x2ed: {  	v60 =	vpop (erf)  }
0x2ee: {  	v61 =	vpop (erf)  }
0x2ef: {  	(erf) = vrcp.f32 v7;
	v9 =	vadd.f32 $1.000000000e+00, v61;
	v7 =	vpop (erf)  }
0x2f0: {  	v10 =	vpop (erf)  }
0x2f1: {  	(erf) = vrcp.f32 v9;
	v62 =	vadd.f32 $1.000000000e+00, v10;
	_ =	sdelay $0x1  }
0x2f2: {  	v63 =	vsub.f32 $1.000000000e+00, v6;
	(erf) = vrcp.f32 v62  }
0x2f3: {  	[tilespmem:s16+$0x4000] =	vst v6  }
0x2f4: {  	[tilespmem:s16+$0x8000] =	vst v63;
	v6 =	vsub.f32 $1.000000000e+00, v60  }
0x2f5: {  	[tilespmem:s15+$0x4000] =	vst v60  }
0x2f6: {  	[tilespmem:s15+$0x8000] =	vst v6;
	v6 =	vsub.f32 $1.000000000e+00, v7  }
0x2f7: {  	[tilespmem:s14+$0x4000] =	vst v7;
	v7 =	vpop (erf)  }
0x2f8: {  	[tilespmem:s14+$0x8000] =	vst v6;
	v6 =	vsub.f32 $1.000000000e+00, v7  }
0x2f9: {  	[tilespmem:s17+$0x4000] =	vst v7;
	v7 =	vpop (erf)  }
0x2fa: {  	[tilespmem:s17+$0x8000] =	vst v6;
	v6 =	vsub.f32 $1.000000000e+00, v7  }
0x2fb: {  	[tilespmem:s18+$0x4000] =	vst v7;
	v7 =	vpop (erf)  }
0x2fc: {  	[tilespmem:s18+$0x8000] =	vst v6;
	v6 =	vsub.f32 $1.000000000e+00, v7  }
0x2fd: {  	[tilespmem:s19+$0x4000] =	vst v7  }
0x2fe: {  	[tilespmem:s19+$0x8000] =	vst v6  }
0x2ff: {  	[hbm4b:s28+s3] =	stream.linear.scatter [tilespmem:s1], [sflag:$0x1], $0x4000, $0x38;
	[tilespmem:$0xC3B0] =	vst v63  }
0x300: {  	s13 =	sadd.s32 $0x1, s13;
	_ =	swait.ge [sflag:s2], $0x4000  }
0x301: {  	p0 =	sne.s32 s13, s31;
	[sflag:s2] =	ssyncset.done $0x0  }
.Ltmp16:
0x302: {  	[sflag:s2] =	ssyncadd.s32 $0xFFFFC000;
	(pc) =	sbr.rel @p0 .LBB2_1-.Ltmp16, $4  }
0x303: {  	[hbm4b:s29+s3] =	stream.linear.scatter [tilespmem:s12], [sflag:$0x1], $0x4000, $0x38;
	[tilespmem:$0xC3B0] =	vst v63  }
0x304: {  	_ =	swait.ge [sflag:s2], $0x4000  }
0x305: {  	[sflag:s2] =	ssyncset.done $0x0  }
0x306: {  	[sflag:s2] =	ssyncadd.s32 $0xFFFFC000  }
0x307: {  	_ =	sfence.sel $0x180000  }
0x308: {  	[bflag:$0x0] =	sbarrier.arrive $0xFFFF  }
0x309: {  	_ =	strace $0x90000047  }
0x30a: {  	s0 =	stileid.u32;
	[bflag:$0x2] =	sbarrier.arrive $0xFFFF  }
0x30b: {  	p0 =	sne.s32 s0, $0x0;
	s0 =	rddreg [dreg:$0x3]  }
0x30c: {  	s0 =	sadd.s32 @!p0 $0x100000, s0  }
0x30d: {  	[sflag:s0] =	ssyncadd.tile.s32 @!p0 $0x1;
	_ =	shalt  }
.Lfunc_end2:
_tile_overlayer_lowered:
.L_overlay_start_2:
0x30e: {  	(tag) =	ssettag $0x2  }
0x30f: {  	s0 =	rddreg [dreg:$0x0];
	s2 =	stileid.u32  }
0x310: {  	s1 =	rddreg [dreg:$0x1];
	p0 =	sne.s32 s2, $0x0  }
0x311: {  	s3 =	rddreg [dreg:$0x2];
	[bflag:$0x3] =	sbarrier.arrive $0xFFFF;
	s2 =	simm.s32 @!p0 $0x1C01  }
0x312: {  	[timem:s3], [sflag:s2] =	dma.local @!p0 [hbm:s0], s1  }
0x313: {  	s0 =	simm.s32 @!p0 $0x1  }
0x314: {  	_ =	swait.ge @!p0 [sflag:s0], s1  }
0x315: {  	s1 =	ssub.s32 @!p0 $0x0, s1;
	[sflag:s0] =	ssyncset.done @!p0 $0x0  }
0x316: {  	[sflag:s0] =	ssyncadd.s32 @!p0 s1  }
0x317: {  	[bflag:$0x3] =	sbarrier.arrive $0xFFFF  }
0x318: {  	_ =	shalt  }

</sc_bundles>
